<compile_context>
chip_gen: v7x
topology: tpu7x:2x2x1
jax: 0.10.2.dev20260603
libtpu: 0.0.44.dev20260713+nightly
codegen_flags: <defaults>
</compile_context>

<pallas_src>
import functools

import jax
import jax.numpy as jnp
from jax import lax
from jax.experimental import pallas as pl
from jax.experimental.pallas import tpu as pltpu
from jax.experimental.pallas import tpu_sc as plsc

OUT = 64
NC, NS = 2, 16
NW = NC * NS
SB = 640
GS = 128
NG = SB // GS
VL = 16
TROWS = 512


def _table_body(emb0_ref, emb1_ref, emb2_ref, w_ref, b_ref, out_ref):
    a = jnp.dot(emb0_ref[...], w_ref[0:64, :], preferred_element_type=jnp.float32)
    bb = jnp.dot(emb1_ref[...], w_ref[64:128, :], preferred_element_type=jnp.float32)
    c = jnp.dot(emb2_ref[...], w_ref[128:192, :], preferred_element_type=jnp.float32)
    r = lax.broadcasted_iota(jnp.int32, (TROWS, 1), 0)
    j32 = lax.broadcasted_iota(jnp.int32, (1, 32), 1)
    j8 = lax.broadcasted_iota(jnp.int32, (1, 8), 1)
    oh0 = ((r // 16) == j32).astype(jnp.float32)
    oh1 = (((r // 2) % 8) == j8).astype(jnp.float32)
    oh2 = ((r % 2) == j8).astype(jnp.float32)
    out_ref[...] = (
        jnp.dot(oh0, a, preferred_element_type=jnp.float32)
        + jnp.dot(oh1, bb, preferred_element_type=jnp.float32)
        + jnp.dot(oh2, c, preferred_element_type=jnp.float32)
        + b_ref[...]
    )


def _build_table(emb0, emb1, emb2, w, b):
    emb0p = jnp.zeros((32, OUT), jnp.float32).at[:emb0.shape[0]].set(emb0)
    emb1p = jnp.zeros((8, OUT), jnp.float32).at[:emb1.shape[0]].set(emb1)
    emb2p = jnp.zeros((8, OUT), jnp.float32).at[:emb2.shape[0]].set(emb2)
    return pl.pallas_call(
        _table_body,
        out_shape=jax.ShapeDtypeStruct((TROWS, OUT), jnp.float32),
    )(emb0p, emb1p, emb2p, w, b.reshape(1, OUT))


def _gather_body(nsteps, tbl_hbm, attr_hbm, out_hbm,
                 tbl_v, attr_v, idx_v, rows_v, tsem, csem, gsem, wsem):
    wid = lax.axis_index("s") * NC + lax.axis_index("c")
    n_w = (nsteps - wid + NW - 1) // NW

    @pl.when(lax.axis_index("s") == 0)
    def _():
        pltpu.async_copy(tbl_hbm, tbl_v, tsem).wait()

    plsc.subcore_barrier()

    def step(t, carry):
        j = wid + t * NW
        off = j * SB
        slot = lax.rem(t, 2)

        @pl.when(t == 0)
        def _():
            for c in range(3):
                pltpu.async_copy(
                    attr_hbm.at[c, pl.ds(off, SB)], attr_v.at[0, c], csem
                )

        for c in range(3):
            pltpu.make_async_copy(
                attr_hbm.at[c, pl.ds(off, SB)], attr_v.at[slot, c], csem
            ).wait()

        @pl.when(t + 1 < n_w)
        def _():
            off_n = (j + NW) * SB
            for c in range(3):
                pltpu.async_copy(
                    attr_hbm.at[c, pl.ds(off_n, SB)], attr_v.at[1 - slot, c], csem
                )

        def mk_idx(g, carry):
            sl = pl.ds(g * VL, VL)
            a0 = attr_v[slot, 0, sl]
            a1 = attr_v[slot, 1, sl]
            a2 = attr_v[slot, 2, sl]
            idx_v[slot, sl] = a0 * 16 + a1 * 2 + a2
            return carry

        lax.fori_loop(0, SB // VL, mk_idx, 0, unroll=8)

        for g in range(NG):
            pltpu.async_copy(
                tbl_v.at[idx_v.at[slot, pl.ds(g * GS, GS)]],
                rows_v.at[slot, pl.ds(g * GS, GS), :],
                gsem,
            )
        for g in range(NG):
            pltpu.make_async_copy(
                tbl_v.at[idx_v.at[slot, pl.ds(g * GS, GS)]],
                rows_v.at[slot, pl.ds(g * GS, GS), :],
                gsem,
            ).wait()

        @pl.when(t >= 1)
        def _():
            pltpu.make_async_copy(
                rows_v.at[slot, :, :], out_hbm.at[pl.ds(off, SB)], wsem
            ).wait()

        pltpu.async_copy(rows_v.at[slot, :, :], out_hbm.at[pl.ds(off, SB)], wsem)
        return carry

    lax.fori_loop(0, n_w, step, 0)

    @pl.when(n_w >= 1)
    def _():
        pltpu.make_async_copy(
            rows_v.at[0, :, :], out_hbm.at[pl.ds(0, SB)], wsem
        ).wait()


def kernel(edge_attr, emb0, emb1, emb2, W, b):
    e = edge_attr.shape[0]
    epad = ((e + SB - 1) // SB) * SB
    nsteps = epad // SB

    tbl = _build_table(emb0, emb1, emb2, W, b)

    attr_in = edge_attr.T
    if epad != e:
        attr_in = jnp.pad(attr_in, ((0, 0), (0, epad - e)))

    mesh = plsc.VectorSubcoreMesh(
        core_axis_name="c", subcore_axis_name="s", num_cores=NC, num_subcores=NS
    )
    out = pl.kernel(
        functools.partial(_gather_body, nsteps),
        out_type=jax.ShapeDtypeStruct((epad, OUT), jnp.float32),
        mesh=mesh,
        compiler_params=pltpu.CompilerParams(use_tc_tiling_on_sc=False),
        scratch_types=[
            pltpu.VMEM_SHARED((TROWS, OUT), jnp.float32),
            pltpu.VMEM((2, 3, SB), jnp.int32),
            pltpu.VMEM((2, SB), jnp.int32),
            pltpu.VMEM((2, SB, OUT), jnp.float32),
            pltpu.SemaphoreType.DMA,
            pltpu.SemaphoreType.DMA,
            pltpu.SemaphoreType.DMA,
            pltpu.SemaphoreType.DMA,
        ],
    )(tbl, attr_in)
    return out if epad == e else out[:e]

# --- scband reference (transcript-rebuilt; emitter-appended) ---
"""Pipeline reference for scband-molecule-net-bond-encoder-19301583028825 (READ-ONLY COPY).

The authoritative reference and input builder live on the scoring server;
editing this copy changes nothing except your own understanding.
"""

import jax, jax.numpy as jnp
import numpy as np

E = 800000
OUT = 64
VOCABS = [22, 6, 2]

def setup_inputs(seed: int = 0) -> dict:
    key = jax.random.key(seed)
    ks = jax.random.split(key, 8)
    # per-column indices within each column's vocab range (faithful to MoleculeNet bond features)
    cols = [jax.random.randint(ks[i], (E, 1), 0, VOCABS[i], dtype=jnp.int32) for i in range(3)]
    edge_attr = jnp.concatenate(cols, axis=1)
    # learned parameters
    emb0 = jax.random.normal(ks[3], (VOCABS[0], OUT), dtype=jnp.float32)
    emb1 = jax.random.normal(ks[4], (VOCABS[1], OUT), dtype=jnp.float32)
    emb2 = jax.random.normal(ks[5], (VOCABS[2], OUT), dtype=jnp.float32)
    # proj: torch Linear(3*OUT, OUT); stored here as [in, out] so math is x @ W + b
    W = jax.random.normal(ks[6], (3 * OUT, OUT), dtype=jnp.float32) * (1.0 / np.sqrt(3 * OUT))
    b = jax.random.normal(ks[7], (OUT,), dtype=jnp.float32) * 0.01
    return {"edge_attr": edge_attr, "emb0": emb0, "emb1": emb1, "emb2": emb2, "W": W, "b": b}

def reference(edge_attr, emb0, emb1, emb2, W, b):
    tables = [emb0, emb1, emb2]
    enc = [jnp.take(tables[i], edge_attr[:, i], axis=0) for i in range(3)]
    x = jnp.concatenate(enc, axis=-1)  # [E, 3*OUT]
    return x @ W + b  # [E, OUT]

if __name__ == "__main__":
    import jax
    _d = setup_inputs()
    print(jax.jit(kernel)(*tuple(_d.values())))

</pallas_src>

<mosaic_0001>
#map = affine_map<(d0, d1) -> (0, 0)>
module attributes {stable_mosaic.version = 14 : i64} {
  func.func @_gather_body(%arg0: i32, %arg1: i32, %arg2: memref<512x64xf32, #tpu.memory_space<hbm>>, %arg3: memref<3x800000xi32, #tpu.memory_space<hbm>>, %arg4: memref<800000x64xf32, #tpu.memory_space<hbm>>, %arg5: memref<512x64xf32, #tpu.memory_space<vmem_shared>>, %arg6: memref<2x3x640xi32, #tpu.memory_space<vmem>>, %arg7: memref<2x640xi32, #tpu.memory_space<vmem>>, %arg8: memref<2x640x64xf32, #tpu.memory_space<vmem>>, %arg9: memref<!tpu.dma_semaphore, #tpu.memory_space<semaphore_mem>>, %arg10: memref<!tpu.dma_semaphore, #tpu.memory_space<semaphore_mem>>, %arg11: memref<!tpu.dma_semaphore, #tpu.memory_space<semaphore_mem>>, %arg12: memref<!tpu.dma_semaphore, #tpu.memory_space<semaphore_mem>>) attributes {dimension_semantics = [#tpu.dimension_semantics<core_parallel>, #tpu.dimension_semantics<subcore_parallel>], iteration_bounds = array<i64: 2, 16>, scalar_prefetch = 0 : i64, scratch_operands = 8 : i64, tpu.core_type = #tpu.core_type<sc_vector_subcore>, window_params = [{transform_indices = #map}, {transform_indices = #map}, {transform_indices = #map}]} {
    %mul3A = arith.constant 2 : i32
    %mul3A_0 = arith.muli %arg1, %mul3A : i32
    %add3A = arith.addi %mul3A_0, %arg0 : i32
    %sub3A = arith.constant 1250 : i32
    %sub3A_1 = arith.subi %sub3A, %add3A : i32
    %add3A_2 = arith.constant 32 : i32
    %add3A_3 = arith.addi %sub3A_1, %add3A_2 : i32
    %sub3A_4 = arith.constant 1 : i32
    %sub3A_5 = arith.subi %add3A_3, %sub3A_4 : i32
    %jit3A = arith.constant 32 : i32
    %div3A = arith.divsi %sub3A_5, %jit3A : i32
    %sign3A = arith.constant 0 : i32
    %sign3A_6 = arith.cmpi sgt, %sub3A_5, %sign3A : i32
    %sign3A_7 = arith.extui %sign3A_6 : i1 to i32
    %sign3A_8 = arith.constant 0 : i32
    %sign3A_9 = arith.cmpi slt, %sub3A_5, %sign3A_8 : i32
    %sign3A_10 = arith.extui %sign3A_9 : i1 to i32
    %sign3A_11 = arith.subi %sign3A_7, %sign3A_10 : i32
    %sign3A_12 = arith.constant 0 : i32
    %sign3A_13 = arith.cmpi sgt, %jit3A, %sign3A_12 : i32
    %sign3A_14 = arith.extui %sign3A_13 : i1 to i32
    %sign3A_15 = arith.constant 0 : i32
    %sign3A_16 = arith.cmpi slt, %jit3A, %sign3A_15 : i32
    %sign3A_17 = arith.extui %sign3A_16 : i1 to i32
    %sign3A_18 = arith.subi %sign3A_14, %sign3A_17 : i32
    %ne3A = arith.cmpi ne, %sign3A_11, %sign3A_18 : i32
    %rem3A = arith.remsi %sub3A_5, %jit3A : i32
    %ne3A_19 = arith.constant 0 : i32
    %ne3A_20 = arith.cmpi ne, %rem3A, %ne3A_19 : i32
    %and3A = arith.andi %ne3A, %ne3A_20 : i1
    %sub3A_21 = arith.constant 1 : i32
    %sub3A_22 = arith.subi %div3A, %sub3A_21 : i32
    %select_n3A = arith.select %and3A, %sub3A_22, %div3A : i32
    %eq3A = arith.constant 0 : i32
    %eq3A_23 = arith.cmpi eq, %arg1, %eq3A : i32
    %convert_element_type3A = arith.extui %eq3A_23 : i1 to i32
    %cond3A = arith.constant 0 : i32
    %cond3A_24 = arith.cmpi ne, %convert_element_type3A, %cond3A : i32
    scf.if %cond3A_24 {
      tpu.enqueue_dma source(%arg2 : memref<512x64xf32, #tpu.memory_space<hbm>>) target(%arg5 : memref<512x64xf32, #tpu.memory_space<vmem_shared>>) target_semaphore(%arg9 : memref<!tpu.dma_semaphore, #tpu.memory_space<semaphore_mem>>)
      tpu.wait_dma2 semaphore(%arg9 : memref<!tpu.dma_semaphore, #tpu.memory_space<semaphore_mem>>) src(%arg2 : memref<512x64xf32, #tpu.memory_space<hbm>>) dst(%arg5 : memref<512x64xf32, #tpu.memory_space<vmem_shared>>)
    } else {
    }
    %barrier3A = arith.constant 0 : index
    tpu.barrier barrier_id(%barrier3A)
    %while3A = arith.constant 0 : i32
    %while3A_25 = arith.constant 0 : i32
    %while3A_26 = arith.subi %select_n3A, %while3A_25 : i32
    %while3A_27 = arith.addi %while3A_25, %while3A_26 : i32
    %while3A_28 = arith.constant 1 : i32
    %while3A_29 = arith.divsi %while3A_26, %while3A_28 : i32
    %while3A_30 = arith.muli %while3A_29, %while3A_28 : i32
    %while3A_31 = arith.addi %while3A_25, %while3A_30 : i32
    %while3A_32 = arith.constant 1 : i32
    scf.for %while3A_38 = %while3A_25 to %while3A_31 step %while3A_32  : i32 {
      %mul3A_39 = arith.constant 32 : i32
      %mul3A_40 = arith.muli %while3A_38, %mul3A_39 : i32
      %add3A_41 = arith.addi %add3A, %mul3A_40 : i32
      %mul3A_42 = arith.constant 640 : i32
      %mul3A_43 = arith.muli %add3A_41, %mul3A_42 : i32
      %rem3A_44 = arith.constant 2 : i32
      %rem3A_45 = arith.remsi %while3A_38, %rem3A_44 : i32
      %eq3A_46 = arith.constant 0 : i32
      %eq3A_47 = arith.cmpi eq, %while3A_38, %eq3A_46 : i32
      %convert_element_type3A_48 = arith.extui %eq3A_47 : i1 to i32
      %cond3A_49 = arith.constant 0 : i32
      %cond3A_50 = arith.cmpi ne, %convert_element_type3A_48, %cond3A_49 : i32
      scf.if %cond3A_50 {
        %dma_start3A_212 = arith.constant 0 : i32
        %dma_start3A_213 = arith.constant 0 : i32
        %dma_start3A_214 = arith.constant 0 : i32
        %dma_start3A_215 = arith.constant 0 : i32
        %dma_start3A_216 = tpu.memref_slice %arg6[%dma_start3A_213, %dma_start3A_214, %dma_start3A_215] : memref<2x3x640xi32, #tpu.memory_space<vmem>> -> memref<1x1x640xi32, #tpu.memory_space<vmem>>
        %dma_start3A_217 = tpu.memref_squeeze %dma_start3A_216 : memref<1x1x640xi32, #tpu.memory_space<vmem>> -> memref<640xi32, #tpu.memory_space<vmem>>
        %dma_start3A_218 = tpu.memref_slice %arg3[%dma_start3A_212, %mul3A_43] : memref<3x800000xi32, #tpu.memory_space<hbm>> -> memref<1x640xi32, #tpu.memory_space<hbm>>
        %dma_start3A_219 = tpu.memref_squeeze %dma_start3A_218 : memref<1x640xi32, #tpu.memory_space<hbm>> -> memref<640xi32, #tpu.memory_space<hbm>>
        %dma_start3A_220 = arith.constant 0 : i32
        %dma_start3A_221 = tpu.memref_slice %arg6[%dma_start3A_213, %dma_start3A_214, %dma_start3A_220] : memref<2x3x640xi32, #tpu.memory_space<vmem>> -> memref<1x1x640xi32, #tpu.memory_space<vmem>>
        %dma_start3A_222 = tpu.memref_squeeze %dma_start3A_221 : memref<1x1x640xi32, #tpu.memory_space<vmem>> -> memref<640xi32, #tpu.memory_space<vmem>>
        %dma_start3A_223 = tpu.memref_slice %arg3[%dma_start3A_212, %mul3A_43] : memref<3x800000xi32, #tpu.memory_space<hbm>> -> memref<1x640xi32, #tpu.memory_space<hbm>>
        %dma_start3A_224 = tpu.memref_squeeze %dma_start3A_223 : memref<1x640xi32, #tpu.memory_space<hbm>> -> memref<640xi32, #tpu.memory_space<hbm>>
        tpu.enqueue_dma source(%dma_start3A_224 : memref<640xi32, #tpu.memory_space<hbm>>) target(%dma_start3A_222 : memref<640xi32, #tpu.memory_space<vmem>>) target_semaphore(%arg10 : memref<!tpu.dma_semaphore, #tpu.memory_space<semaphore_mem>>)
        %dma_start3A_225 = arith.constant 1 : i32
        %dma_start3A_226 = arith.constant 0 : i32
        %dma_start3A_227 = arith.constant 1 : i32
        %dma_start3A_228 = arith.constant 0 : i32
        %dma_start3A_229 = tpu.memref_slice %arg6[%dma_start3A_226, %dma_start3A_227, %dma_start3A_228] : memref<2x3x640xi32, #tpu.memory_space<vmem>> -> memref<1x1x640xi32, #tpu.memory_space<vmem>>
        %dma_start3A_230 = tpu.memref_squeeze %dma_start3A_229 : memref<1x1x640xi32, #tpu.memory_space<vmem>> -> memref<640xi32, #tpu.memory_space<vmem>>
        %dma_start3A_231 = tpu.memref_slice %arg3[%dma_start3A_225, %mul3A_43] : memref<3x800000xi32, #tpu.memory_space<hbm>> -> memref<1x640xi32, #tpu.memory_space<hbm>>
        %dma_start3A_232 = tpu.memref_squeeze %dma_start3A_231 : memref<1x640xi32, #tpu.memory_space<hbm>> -> memref<640xi32, #tpu.memory_space<hbm>>
        %dma_start3A_233 = arith.constant 0 : i32
        %dma_start3A_234 = tpu.memref_slice %arg6[%dma_start3A_226, %dma_start3A_227, %dma_start3A_233] : memref<2x3x640xi32, #tpu.memory_space<vmem>> -> memref<1x1x640xi32, #tpu.memory_space<vmem>>
        %dma_start3A_235 = tpu.memref_squeeze %dma_start3A_234 : memref<1x1x640xi32, #tpu.memory_space<vmem>> -> memref<640xi32, #tpu.memory_space<vmem>>
        %dma_start3A_236 = tpu.memref_slice %arg3[%dma_start3A_225, %mul3A_43] : memref<3x800000xi32, #tpu.memory_space<hbm>> -> memref<1x640xi32, #tpu.memory_space<hbm>>
        %dma_start3A_237 = tpu.memref_squeeze %dma_start3A_236 : memref<1x640xi32, #tpu.memory_space<hbm>> -> memref<640xi32, #tpu.memory_space<hbm>>
        tpu.enqueue_dma source(%dma_start3A_237 : memref<640xi32, #tpu.memory_space<hbm>>) target(%dma_start3A_235 : memref<640xi32, #tpu.memory_space<vmem>>) target_semaphore(%arg10 : memref<!tpu.dma_semaphore, #tpu.memory_space<semaphore_mem>>)
        %dma_start3A_238 = arith.constant 2 : i32
        %dma_start3A_239 = arith.constant 0 : i32
        %dma_start3A_240 = arith.constant 2 : i32
        %dma_start3A_241 = arith.constant 0 : i32
        %dma_start3A_242 = tpu.memref_slice %arg6[%dma_start3A_239, %dma_start3A_240, %dma_start3A_241] : memref<2x3x640xi32, #tpu.memory_space<vmem>> -> memref<1x1x640xi32, #tpu.memory_space<vmem>>
        %dma_start3A_243 = tpu.memref_squeeze %dma_start3A_242 : memref<1x1x640xi32, #tpu.memory_space<vmem>> -> memref<640xi32, #tpu.memory_space<vmem>>
        %dma_start3A_244 = tpu.memref_slice %arg3[%dma_start3A_238, %mul3A_43] : memref<3x800000xi32, #tpu.memory_space<hbm>> -> memref<1x640xi32, #tpu.memory_space<hbm>>
        %dma_start3A_245 = tpu.memref_squeeze %dma_start3A_244 : memref<1x640xi32, #tpu.memory_space<hbm>> -> memref<640xi32, #tpu.memory_space<hbm>>
        %dma_start3A_246 = arith.constant 0 : i32
        %dma_start3A_247 = tpu.memref_slice %arg6[%dma_start3A_239, %dma_start3A_240, %dma_start3A_246] : memref<2x3x640xi32, #tpu.memory_space<vmem>> -> memref<1x1x640xi32, #tpu.memory_space<vmem>>
        %dma_start3A_248 = tpu.memref_squeeze %dma_start3A_247 : memref<1x1x640xi32, #tpu.memory_space<vmem>> -> memref<640xi32, #tpu.memory_space<vmem>>
        %dma_start3A_249 = tpu.memref_slice %arg3[%dma_start3A_238, %mul3A_43] : memref<3x800000xi32, #tpu.memory_space<hbm>> -> memref<1x640xi32, #tpu.memory_space<hbm>>
        %dma_start3A_250 = tpu.memref_squeeze %dma_start3A_249 : memref<1x640xi32, #tpu.memory_space<hbm>> -> memref<640xi32, #tpu.memory_space<hbm>>
        tpu.enqueue_dma source(%dma_start3A_250 : memref<640xi32, #tpu.memory_space<hbm>>) target(%dma_start3A_248 : memref<640xi32, #tpu.memory_space<vmem>>) target_semaphore(%arg10 : memref<!tpu.dma_semaphore, #tpu.memory_space<semaphore_mem>>)
      } else {
      }
      %dma_wait3A = arith.constant 0 : i32
      %dma_wait3A_51 = arith.constant 0 : i32
      %dma_wait3A_52 = arith.constant 0 : i32
      %dma_wait3A_53 = tpu.memref_slice %arg6[%rem3A_45, %dma_wait3A_51, %dma_wait3A_52] : memref<2x3x640xi32, #tpu.memory_space<vmem>> -> memref<1x1x640xi32, #tpu.memory_space<vmem>>
      %dma_wait3A_54 = tpu.memref_squeeze %dma_wait3A_53 : memref<1x1x640xi32, #tpu.memory_space<vmem>> -> memref<640xi32, #tpu.memory_space<vmem>>
      %dma_wait3A_55 = tpu.memref_slice %arg3[%dma_wait3A, %mul3A_43] : memref<3x800000xi32, #tpu.memory_space<hbm>> -> memref<1x640xi32, #tpu.memory_space<hbm>>
      %dma_wait3A_56 = tpu.memref_squeeze %dma_wait3A_55 : memref<1x640xi32, #tpu.memory_space<hbm>> -> memref<640xi32, #tpu.memory_space<hbm>>
      %dma_wait3A_57 = arith.constant 0 : i32
      %dma_wait3A_58 = tpu.memref_slice %arg6[%rem3A_45, %dma_wait3A_51, %dma_wait3A_57] : memref<2x3x640xi32, #tpu.memory_space<vmem>> -> memref<1x1x640xi32, #tpu.memory_space<vmem>>
      %dma_wait3A_59 = tpu.memref_squeeze %dma_wait3A_58 : memref<1x1x640xi32, #tpu.memory_space<vmem>> -> memref<640xi32, #tpu.memory_space<vmem>>
      %dma_wait3A_60 = tpu.memref_slice %arg3[%dma_wait3A, %mul3A_43] : memref<3x800000xi32, #tpu.memory_space<hbm>> -> memref<1x640xi32, #tpu.memory_space<hbm>>
      %dma_wait3A_61 = tpu.memref_squeeze %dma_wait3A_60 : memref<1x640xi32, #tpu.memory_space<hbm>> -> memref<640xi32, #tpu.memory_space<hbm>>
      tpu.wait_dma2 semaphore(%arg10 : memref<!tpu.dma_semaphore, #tpu.memory_space<semaphore_mem>>) src(%dma_wait3A_61 : memref<640xi32, #tpu.memory_space<hbm>>) dst(%dma_wait3A_59 : memref<640xi32, #tpu.memory_space<vmem>>)
      %dma_wait3A_62 = arith.constant 1 : i32
      %dma_wait3A_63 = arith.constant 1 : i32
      %dma_wait3A_64 = arith.constant 0 : i32
      %dma_wait3A_65 = tpu.memref_slice %arg6[%rem3A_45, %dma_wait3A_63, %dma_wait3A_64] : memref<2x3x640xi32, #tpu.memory_space<vmem>> -> memref<1x1x640xi32, #tpu.memory_space<vmem>>
      %dma_wait3A_66 = tpu.memref_squeeze %dma_wait3A_65 : memref<1x1x640xi32, #tpu.memory_space<vmem>> -> memref<640xi32, #tpu.memory_space<vmem>>
      %dma_wait3A_67 = tpu.memref_slice %arg3[%dma_wait3A_62, %mul3A_43] : memref<3x800000xi32, #tpu.memory_space<hbm>> -> memref<1x640xi32, #tpu.memory_space<hbm>>
      %dma_wait3A_68 = tpu.memref_squeeze %dma_wait3A_67 : memref<1x640xi32, #tpu.memory_space<hbm>> -> memref<640xi32, #tpu.memory_space<hbm>>
      %dma_wait3A_69 = arith.constant 0 : i32
      %dma_wait3A_70 = tpu.memref_slice %arg6[%rem3A_45, %dma_wait3A_63, %dma_wait3A_69] : memref<2x3x640xi32, #tpu.memory_space<vmem>> -> memref<1x1x640xi32, #tpu.memory_space<vmem>>
      %dma_wait3A_71 = tpu.memref_squeeze %dma_wait3A_70 : memref<1x1x640xi32, #tpu.memory_space<vmem>> -> memref<640xi32, #tpu.memory_space<vmem>>
      %dma_wait3A_72 = tpu.memref_slice %arg3[%dma_wait3A_62, %mul3A_43] : memref<3x800000xi32, #tpu.memory_space<hbm>> -> memref<1x640xi32, #tpu.memory_space<hbm>>
      %dma_wait3A_73 = tpu.memref_squeeze %dma_wait3A_72 : memref<1x640xi32, #tpu.memory_space<hbm>> -> memref<640xi32, #tpu.memory_space<hbm>>
      tpu.wait_dma2 semaphore(%arg10 : memref<!tpu.dma_semaphore, #tpu.memory_space<semaphore_mem>>) src(%dma_wait3A_73 : memref<640xi32, #tpu.memory_space<hbm>>) dst(%dma_wait3A_71 : memref<640xi32, #tpu.memory_space<vmem>>)
      %dma_wait3A_74 = arith.constant 2 : i32
      %dma_wait3A_75 = arith.constant 2 : i32
      %dma_wait3A_76 = arith.constant 0 : i32
      %dma_wait3A_77 = tpu.memref_slice %arg6[%rem3A_45, %dma_wait3A_75, %dma_wait3A_76] : memref<2x3x640xi32, #tpu.memory_space<vmem>> -> memref<1x1x640xi32, #tpu.memory_space<vmem>>
      %dma_wait3A_78 = tpu.memref_squeeze %dma_wait3A_77 : memref<1x1x640xi32, #tpu.memory_space<vmem>> -> memref<640xi32, #tpu.memory_space<vmem>>
      %dma_wait3A_79 = tpu.memref_slice %arg3[%dma_wait3A_74, %mul3A_43] : memref<3x800000xi32, #tpu.memory_space<hbm>> -> memref<1x640xi32, #tpu.memory_space<hbm>>
      %dma_wait3A_80 = tpu.memref_squeeze %dma_wait3A_79 : memref<1x640xi32, #tpu.memory_space<hbm>> -> memref<640xi32, #tpu.memory_space<hbm>>
      %dma_wait3A_81 = arith.constant 0 : i32
      %dma_wait3A_82 = tpu.memref_slice %arg6[%rem3A_45, %dma_wait3A_75, %dma_wait3A_81] : memref<2x3x640xi32, #tpu.memory_space<vmem>> -> memref<1x1x640xi32, #tpu.memory_space<vmem>>
      %dma_wait3A_83 = tpu.memref_squeeze %dma_wait3A_82 : memref<1x1x640xi32, #tpu.memory_space<vmem>> -> memref<640xi32, #tpu.memory_space<vmem>>
      %dma_wait3A_84 = tpu.memref_slice %arg3[%dma_wait3A_74, %mul3A_43] : memref<3x800000xi32, #tpu.memory_space<hbm>> -> memref<1x640xi32, #tpu.memory_space<hbm>>
      %dma_wait3A_85 = tpu.memref_squeeze %dma_wait3A_84 : memref<1x640xi32, #tpu.memory_space<hbm>> -> memref<640xi32, #tpu.memory_space<hbm>>
      tpu.wait_dma2 semaphore(%arg10 : memref<!tpu.dma_semaphore, #tpu.memory_space<semaphore_mem>>) src(%dma_wait3A_85 : memref<640xi32, #tpu.memory_space<hbm>>) dst(%dma_wait3A_83 : memref<640xi32, #tpu.memory_space<vmem>>)
      %add3A_86 = arith.constant 1 : i32
      %add3A_87 = arith.addi %while3A_38, %add3A_86 : i32
      %lt3A = arith.cmpi slt, %add3A_87, %select_n3A : i32
      %convert_element_type3A_88 = arith.extui %lt3A : i1 to i32
      %cond3A_89 = arith.constant 0 : i32
      %cond3A_90 = arith.cmpi ne, %convert_element_type3A_88, %cond3A_89 : i32
      scf.if %cond3A_90 {
        %add3A_212 = arith.constant 32 : i32
        %add3A_213 = arith.addi %add3A_41, %add3A_212 : i32
        %mul3A_214 = arith.constant 640 : i32
        %mul3A_215 = arith.muli %add3A_213, %mul3A_214 : i32
        %sub3A_216 = arith.constant 1 : i32
        %sub3A_217 = arith.subi %sub3A_216, %rem3A_45 : i32
        %dma_start3A_218 = arith.constant 0 : i32
        %dma_start3A_219 = arith.constant 0 : i32
        %dma_start3A_220 = arith.constant 0 : i32
        %dma_start3A_221 = tpu.memref_slice %arg6[%sub3A_217, %dma_start3A_219, %dma_start3A_220] : memref<2x3x640xi32, #tpu.memory_space<vmem>> -> memref<1x1x640xi32, #tpu.memory_space<vmem>>
        %dma_start3A_222 = tpu.memref_squeeze %dma_start3A_221 : memref<1x1x640xi32, #tpu.memory_space<vmem>> -> memref<640xi32, #tpu.memory_space<vmem>>
        %dma_start3A_223 = tpu.memref_slice %arg3[%dma_start3A_218, %mul3A_215] : memref<3x800000xi32, #tpu.memory_space<hbm>> -> memref<1x640xi32, #tpu.memory_space<hbm>>
        %dma_start3A_224 = tpu.memref_squeeze %dma_start3A_223 : memref<1x640xi32, #tpu.memory_space<hbm>> -> memref<640xi32, #tpu.memory_space<hbm>>
        %dma_start3A_225 = arith.constant 0 : i32
        %dma_start3A_226 = tpu.memref_slice %arg6[%sub3A_217, %dma_start3A_219, %dma_start3A_225] : memref<2x3x640xi32, #tpu.memory_space<vmem>> -> memref<1x1x640xi32, #tpu.memory_space<vmem>>
        %dma_start3A_227 = tpu.memref_squeeze %dma_start3A_226 : memref<1x1x640xi32, #tpu.memory_space<vmem>> -> memref<640xi32, #tpu.memory_space<vmem>>
        %dma_start3A_228 = tpu.memref_slice %arg3[%dma_start3A_218, %mul3A_215] : memref<3x800000xi32, #tpu.memory_space<hbm>> -> memref<1x640xi32, #tpu.memory_space<hbm>>
        %dma_start3A_229 = tpu.memref_squeeze %dma_start3A_228 : memref<1x640xi32, #tpu.memory_space<hbm>> -> memref<640xi32, #tpu.memory_space<hbm>>
        tpu.enqueue_dma source(%dma_start3A_229 : memref<640xi32, #tpu.memory_space<hbm>>) target(%dma_start3A_227 : memref<640xi32, #tpu.memory_space<vmem>>) target_semaphore(%arg10 : memref<!tpu.dma_semaphore, #tpu.memory_space<semaphore_mem>>)
        %sub3A_230 = arith.constant 1 : i32
        %sub3A_231 = arith.subi %sub3A_230, %rem3A_45 : i32
        %dma_start3A_232 = arith.constant 1 : i32
        %dma_start3A_233 = arith.constant 1 : i32
        %dma_start3A_234 = arith.constant 0 : i32
        %dma_start3A_235 = tpu.memref_slice %arg6[%sub3A_231, %dma_start3A_233, %dma_start3A_234] : memref<2x3x640xi32, #tpu.memory_space<vmem>> -> memref<1x1x640xi32, #tpu.memory_space<vmem>>
        %dma_start3A_236 = tpu.memref_squeeze %dma_start3A_235 : memref<1x1x640xi32, #tpu.memory_space<vmem>> -> memref<640xi32, #tpu.memory_space<vmem>>
        %dma_start3A_237 = tpu.memref_slice %arg3[%dma_start3A_232, %mul3A_215] : memref<3x800000xi32, #tpu.memory_space<hbm>> -> memref<1x640xi32, #tpu.memory_space<hbm>>
        %dma_start3A_238 = tpu.memref_squeeze %dma_start3A_237 : memref<1x640xi32, #tpu.memory_space<hbm>> -> memref<640xi32, #tpu.memory_space<hbm>>
        %dma_start3A_239 = arith.constant 0 : i32
        %dma_start3A_240 = tpu.memref_slice %arg6[%sub3A_231, %dma_start3A_233, %dma_start3A_239] : memref<2x3x640xi32, #tpu.memory_space<vmem>> -> memref<1x1x640xi32, #tpu.memory_space<vmem>>
        %dma_start3A_241 = tpu.memref_squeeze %dma_start3A_240 : memref<1x1x640xi32, #tpu.memory_space<vmem>> -> memref<640xi32, #tpu.memory_space<vmem>>
        %dma_start3A_242 = tpu.memref_slice %arg3[%dma_start3A_232, %mul3A_215] : memref<3x800000xi32, #tpu.memory_space<hbm>> -> memref<1x640xi32, #tpu.memory_space<hbm>>
        %dma_start3A_243 = tpu.memref_squeeze %dma_start3A_242 : memref<1x640xi32, #tpu.memory_space<hbm>> -> memref<640xi32, #tpu.memory_space<hbm>>
        tpu.enqueue_dma source(%dma_start3A_243 : memref<640xi32, #tpu.memory_space<hbm>>) target(%dma_start3A_241 : memref<640xi32, #tpu.memory_space<vmem>>) target_semaphore(%arg10 : memref<!tpu.dma_semaphore, #tpu.memory_space<semaphore_mem>>)
        %sub3A_244 = arith.constant 1 : i32
        %sub3A_245 = arith.subi %sub3A_244, %rem3A_45 : i32
        %dma_start3A_246 = arith.constant 2 : i32
        %dma_start3A_247 = arith.constant 2 : i32
        %dma_start3A_248 = arith.constant 0 : i32
        %dma_start3A_249 = tpu.memref_slice %arg6[%sub3A_245, %dma_start3A_247, %dma_start3A_248] : memref<2x3x640xi32, #tpu.memory_space<vmem>> -> memref<1x1x640xi32, #tpu.memory_space<vmem>>
        %dma_start3A_250 = tpu.memref_squeeze %dma_start3A_249 : memref<1x1x640xi32, #tpu.memory_space<vmem>> -> memref<640xi32, #tpu.memory_space<vmem>>
        %dma_start3A_251 = tpu.memref_slice %arg3[%dma_start3A_246, %mul3A_215] : memref<3x800000xi32, #tpu.memory_space<hbm>> -> memref<1x640xi32, #tpu.memory_space<hbm>>
        %dma_start3A_252 = tpu.memref_squeeze %dma_start3A_251 : memref<1x640xi32, #tpu.memory_space<hbm>> -> memref<640xi32, #tpu.memory_space<hbm>>
        %dma_start3A_253 = arith.constant 0 : i32
        %dma_start3A_254 = tpu.memref_slice %arg6[%sub3A_245, %dma_start3A_247, %dma_start3A_253] : memref<2x3x640xi32, #tpu.memory_space<vmem>> -> memref<1x1x640xi32, #tpu.memory_space<vmem>>
        %dma_start3A_255 = tpu.memref_squeeze %dma_start3A_254 : memref<1x1x640xi32, #tpu.memory_space<vmem>> -> memref<640xi32, #tpu.memory_space<vmem>>
        %dma_start3A_256 = tpu.memref_slice %arg3[%dma_start3A_246, %mul3A_215] : memref<3x800000xi32, #tpu.memory_space<hbm>> -> memref<1x640xi32, #tpu.memory_space<hbm>>
        %dma_start3A_257 = tpu.memref_squeeze %dma_start3A_256 : memref<1x640xi32, #tpu.memory_space<hbm>> -> memref<640xi32, #tpu.memory_space<hbm>>
        tpu.enqueue_dma source(%dma_start3A_257 : memref<640xi32, #tpu.memory_space<hbm>>) target(%dma_start3A_255 : memref<640xi32, #tpu.memory_space<vmem>>) target_semaphore(%arg10 : memref<!tpu.dma_semaphore, #tpu.memory_space<semaphore_mem>>)
      } else {
      }
      %scan3A = arith.constant 0 : i32
      %scan3A_91 = arith.constant 0 : i32
      %scan3A_92 = arith.constant 40 : i32
      %scan3A_93 = arith.addi %scan3A_91, %scan3A_92 : i32
      %scan3A_94 = arith.constant 8 : i32
      scf.for %scan3A_212 = %scan3A_91 to %scan3A_93 step %scan3A_94  : i32 {
        %mul3A_213 = arith.constant 16 : i32
        %mul3A_214 = arith.muli %scan3A_212, %mul3A_213 : i32
        %get3A = arith.constant 0 : i32
        %get3A_215 = arith.index_cast %rem3A_45 : i32 to index
        %get3A_216 = arith.index_cast %get3A : i32 to index
        %get3A_217 = arith.index_cast %mul3A_214 : i32 to index
        %get3A_218 = tpu.vector_load %arg6[%get3A_215, %get3A_216, %get3A_217] {strides = array<i32>} : memref<2x3x640xi32, #tpu.memory_space<vmem>>, vector<1x1x16xi32>,
        %get3A_219 = vector.shape_cast %get3A_218 : vector<1x1x16xi32> to vector<16xi32>
        %get3A_220 = arith.constant 1 : i32
        %get3A_221 = arith.index_cast %rem3A_45 : i32 to index
        %get3A_222 = arith.index_cast %get3A_220 : i32 to index
        %get3A_223 = arith.index_cast %mul3A_214 : i32 to index
        %get3A_224 = tpu.vector_load %arg6[%get3A_221, %get3A_222, %get3A_223] {strides = array<i32>} : memref<2x3x640xi32, #tpu.memory_space<vmem>>, vector<1x1x16xi32>,
        %get3A_225 = vector.shape_cast %get3A_224 : vector<1x1x16xi32> to vector<16xi32>
        %get3A_226 = arith.constant 2 : i32
        %get3A_227 = arith.index_cast %rem3A_45 : i32 to index
        %get3A_228 = arith.index_cast %get3A_226 : i32 to index
        %get3A_229 = arith.index_cast %mul3A_214 : i32 to index
        %get3A_230 = tpu.vector_load %arg6[%get3A_227, %get3A_228, %get3A_229] {strides = array<i32>} : memref<2x3x640xi32, #tpu.memory_space<vmem>>, vector<1x1x16xi32>,
        %get3A_231 = vector.shape_cast %get3A_230 : vector<1x1x16xi32> to vector<16xi32>
        %mul3A_232 = arith.constant 16 : i32
        %mul3A_233 = vector.broadcast %mul3A_232 : i32 to vector<16xi32>
        %mul3A_234 = arith.muli %get3A_219, %mul3A_233 : vector<16xi32>
        %mul3A_235 = arith.constant 2 : i32
        %mul3A_236 = vector.broadcast %mul3A_235 : i32 to vector<16xi32>
        %mul3A_237 = arith.muli %get3A_225, %mul3A_236 : vector<16xi32>
        %add3A_238 = arith.addi %mul3A_234, %mul3A_237 : vector<16xi32>
        %add3A_239 = arith.addi %add3A_238, %get3A_231 : vector<16xi32>
        %swap3A = arith.index_cast %rem3A_45 : i32 to index
        %swap3A_240 = arith.index_cast %mul3A_214 : i32 to index
        %swap3A_241 = tpu.vector_load %arg7[%swap3A, %swap3A_240] {strides = array<i32>} : memref<2x640xi32, #tpu.memory_space<vmem>>, vector<1x16xi32>,
        %swap3A_242 = vector.shape_cast %swap3A_241 : vector<1x16xi32> to vector<16xi32>
        %swap3A_243 = vector.shape_cast %add3A_239 : vector<16xi32> to vector<1x16xi32>
        tpu.vector_store %arg7[%swap3A, %swap3A_240], %swap3A_243 {strides = array<i32>} : memref<2x640xi32, #tpu.memory_space<vmem>>, vector<1x16xi32>,
        %scan3A_244 = arith.constant 1 : i32
        %scan3A_245 = arith.addi %scan3A_212, %scan3A_244 : i32
        %mul3A_246 = arith.constant 16 : i32
        %mul3A_247 = arith.muli %scan3A_245, %mul3A_246 : i32
        %get3A_248 = arith.constant 0 : i32
        %get3A_249 = arith.index_cast %rem3A_45 : i32 to index
        %get3A_250 = arith.index_cast %get3A_248 : i32 to index
        %get3A_251 = arith.index_cast %mul3A_247 : i32 to index
        %get3A_252 = tpu.vector_load %arg6[%get3A_249, %get3A_250, %get3A_251] {strides = array<i32>} : memref<2x3x640xi32, #tpu.memory_space<vmem>>, vector<1x1x16xi32>,
        %get3A_253 = vector.shape_cast %get3A_252 : vector<1x1x16xi32> to vector<16xi32>
        %get3A_254 = arith.constant 1 : i32
        %get3A_255 = arith.index_cast %rem3A_45 : i32 to index
        %get3A_256 = arith.index_cast %get3A_254 : i32 to index
        %get3A_257 = arith.index_cast %mul3A_247 : i32 to index
        %get3A_258 = tpu.vector_load %arg6[%get3A_255, %get3A_256, %get3A_257] {strides = array<i32>} : memref<2x3x640xi32, #tpu.memory_space<vmem>>, vector<1x1x16xi32>,
        %get3A_259 = vector.shape_cast %get3A_258 : vector<1x1x16xi32> to vector<16xi32>
        %get3A_260 = arith.constant 2 : i32
        %get3A_261 = arith.index_cast %rem3A_45 : i32 to index
        %get3A_262 = arith.index_cast %get3A_260 : i32 to index
        %get3A_263 = arith.index_cast %mul3A_247 : i32 to index
        %get3A_264 = tpu.vector_load %arg6[%get3A_261, %get3A_262, %get3A_263] {strides = array<i32>} : memref<2x3x640xi32, #tpu.memory_space<vmem>>, vector<1x1x16xi32>,
        %get3A_265 = vector.shape_cast %get3A_264 : vector<1x1x16xi32> to vector<16xi32>
        %mul3A_266 = arith.constant 16 : i32
        %mul3A_267 = vector.broadcast %mul3A_266 : i32 to vector<16xi32>
        %mul3A_268 = arith.muli %get3A_253, %mul3A_267 : vector<16xi32>
        %mul3A_269 = arith.constant 2 : i32
        %mul3A_270 = vector.broadcast %mul3A_269 : i32 to vector<16xi32>
        %mul3A_271 = arith.muli %get3A_259, %mul3A_270 : vector<16xi32>
        %add3A_272 = arith.addi %mul3A_268, %mul3A_271 : vector<16xi32>
        %add3A_273 = arith.addi %add3A_272, %get3A_265 : vector<16xi32>
        %swap3A_274 = arith.index_cast %rem3A_45 : i32 to index
        %swap3A_275 = arith.index_cast %mul3A_247 : i32 to index
        %swap3A_276 = tpu.vector_load %arg7[%swap3A_274, %swap3A_275] {strides = array<i32>} : memref<2x640xi32, #tpu.memory_space<vmem>>, vector<1x16xi32>,
        %swap3A_277 = vector.shape_cast %swap3A_276 : vector<1x16xi32> to vector<16xi32>
        %swap3A_278 = vector.shape_cast %add3A_273 : vector<16xi32> to vector<1x16xi32>
        tpu.vector_store %arg7[%swap3A_274, %swap3A_275], %swap3A_278 {strides = array<i32>} : memref<2x640xi32, #tpu.memory_space<vmem>>, vector<1x16xi32>,
        %scan3A_279 = arith.constant 2 : i32
        %scan3A_280 = arith.addi %scan3A_212, %scan3A_279 : i32
        %mul3A_281 = arith.constant 16 : i32
        %mul3A_282 = arith.muli %scan3A_280, %mul3A_281 : i32
        %get3A_283 = arith.constant 0 : i32
        %get3A_284 = arith.index_cast %rem3A_45 : i32 to index
        %get3A_285 = arith.index_cast %get3A_283 : i32 to index
        %get3A_286 = arith.index_cast %mul3A_282 : i32 to index
        %get3A_287 = tpu.vector_load %arg6[%get3A_284, %get3A_285, %get3A_286] {strides = array<i32>} : memref<2x3x640xi32, #tpu.memory_space<vmem>>, vector<1x1x16xi32>,
        %get3A_288 = vector.shape_cast %get3A_287 : vector<1x1x16xi32> to vector<16xi32>
        %get3A_289 = arith.constant 1 : i32
        %get3A_290 = arith.index_cast %rem3A_45 : i32 to index
        %get3A_291 = arith.index_cast %get3A_289 : i32 to index
        %get3A_292 = arith.index_cast %mul3A_282 : i32 to index
        %get3A_293 = tpu.vector_load %arg6[%get3A_290, %get3A_291, %get3A_292] {strides = array<i32>} : memref<2x3x640xi32, #tpu.memory_space<vmem>>, vector<1x1x16xi32>,
        %get3A_294 = vector.shape_cast %get3A_293 : vector<1x1x16xi32> to vector<16xi32>
        %get3A_295 = arith.constant 2 : i32
        %get3A_296 = arith.index_cast %rem3A_45 : i32 to index
        %get3A_297 = arith.index_cast %get3A_295 : i32 to index
        %get3A_298 = arith.index_cast %mul3A_282 : i32 to index
        %get3A_299 = tpu.vector_load %arg6[%get3A_296, %get3A_297, %get3A_298] {strides = array<i32>} : memref<2x3x640xi32, #tpu.memory_space<vmem>>, vector<1x1x16xi32>,
        %get3A_300 = vector.shape_cast %get3A_299 : vector<1x1x16xi32> to vector<16xi32>
        %mul3A_301 = arith.constant 16 : i32
        %mul3A_302 = vector.broadcast %mul3A_301 : i32 to vector<16xi32>
        %mul3A_303 = arith.muli %get3A_288, %mul3A_302 : vector<16xi32>
        %mul3A_304 = arith.constant 2 : i32
        %mul3A_305 = vector.broadcast %mul3A_304 : i32 to vector<16xi32>
        %mul3A_306 = arith.muli %get3A_294, %mul3A_305 : vector<16xi32>
        %add3A_307 = arith.addi %mul3A_303, %mul3A_306 : vector<16xi32>
        %add3A_308 = arith.addi %add3A_307, %get3A_300 : vector<16xi32>
        %swap3A_309 = arith.index_cast %rem3A_45 : i32 to index
        %swap3A_310 = arith.index_cast %mul3A_282 : i32 to index
        %swap3A_311 = tpu.vector_load %arg7[%swap3A_309, %swap3A_310] {strides = array<i32>} : memref<2x640xi32, #tpu.memory_space<vmem>>, vector<1x16xi32>,
        %swap3A_312 = vector.shape_cast %swap3A_311 : vector<1x16xi32> to vector<16xi32>
        %swap3A_313 = vector.shape_cast %add3A_308 : vector<16xi32> to vector<1x16xi32>
        tpu.vector_store %arg7[%swap3A_309, %swap3A_310], %swap3A_313 {strides = array<i32>} : memref<2x640xi32, #tpu.memory_space<vmem>>, vector<1x16xi32>,
        %scan3A_314 = arith.constant 3 : i32
        %scan3A_315 = arith.addi %scan3A_212, %scan3A_314 : i32
        %mul3A_316 = arith.constant 16 : i32
        %mul3A_317 = arith.muli %scan3A_315, %mul3A_316 : i32
        %get3A_318 = arith.constant 0 : i32
        %get3A_319 = arith.index_cast %rem3A_45 : i32 to index
        %get3A_320 = arith.index_cast %get3A_318 : i32 to index
        %get3A_321 = arith.index_cast %mul3A_317 : i32 to index
        %get3A_322 = tpu.vector_load %arg6[%get3A_319, %get3A_320, %get3A_321] {strides = array<i32>} : memref<2x3x640xi32, #tpu.memory_space<vmem>>, vector<1x1x16xi32>,
        %get3A_323 = vector.shape_cast %get3A_322 : vector<1x1x16xi32> to vector<16xi32>
        %get3A_324 = arith.constant 1 : i32
        %get3A_325 = arith.index_cast %rem3A_45 : i32 to index
        %get3A_326 = arith.index_cast %get3A_324 : i32 to index
        %get3A_327 = arith.index_cast %mul3A_317 : i32 to index
        %get3A_328 = tpu.vector_load %arg6[%get3A_325, %get3A_326, %get3A_327] {strides = array<i32>} : memref<2x3x640xi32, #tpu.memory_space<vmem>>, vector<1x1x16xi32>,
        %get3A_329 = vector.shape_cast %get3A_328 : vector<1x1x16xi32> to vector<16xi32>
        %get3A_330 = arith.constant 2 : i32
        %get3A_331 = arith.index_cast %rem3A_45 : i32 to index
        %get3A_332 = arith.index_cast %get3A_330 : i32 to index
        %get3A_333 = arith.index_cast %mul3A_317 : i32 to index
        %get3A_334 = tpu.vector_load %arg6[%get3A_331, %get3A_332, %get3A_333] {strides = array<i32>} : memref<2x3x640xi32, #tpu.memory_space<vmem>>, vector<1x1x16xi32>,
        %get3A_335 = vector.shape_cast %get3A_334 : vector<1x1x16xi32> to vector<16xi32>
        %mul3A_336 = arith.constant 16 : i32
        %mul3A_337 = vector.broadcast %mul3A_336 : i32 to vector<16xi32>
        %mul3A_338 = arith.muli %get3A_323, %mul3A_337 : vector<16xi32>
        %mul3A_339 = arith.constant 2 : i32
        %mul3A_340 = vector.broadcast %mul3A_339 : i32 to vector<16xi32>
        %mul3A_341 = arith.muli %get3A_329, %mul3A_340 : vector<16xi32>
        %add3A_342 = arith.addi %mul3A_338, %mul3A_341 : vector<16xi32>
        %add3A_343 = arith.addi %add3A_342, %get3A_335 : vector<16xi32>
        %swap3A_344 = arith.index_cast %rem3A_45 : i32 to index
        %swap3A_345 = arith.index_cast %mul3A_317 : i32 to index
        %swap3A_346 = tpu.vector_load %arg7[%swap3A_344, %swap3A_345] {strides = array<i32>} : memref<2x640xi32, #tpu.memory_space<vmem>>, vector<1x16xi32>,
        %swap3A_347 = vector.shape_cast %swap3A_346 : vector<1x16xi32> to vector<16xi32>
        %swap3A_348 = vector.shape_cast %add3A_343 : vector<16xi32> to vector<1x16xi32>
        tpu.vector_store %arg7[%swap3A_344, %swap3A_345], %swap3A_348 {strides = array<i32>} : memref<2x640xi32, #tpu.memory_space<vmem>>, vector<1x16xi32>,
        %scan3A_349 = arith.constant 4 : i32
        %scan3A_350 = arith.addi %scan3A_212, %scan3A_349 : i32
        %mul3A_351 = arith.constant 16 : i32
        %mul3A_352 = arith.muli %scan3A_350, %mul3A_351 : i32
        %get3A_353 = arith.constant 0 : i32
        %get3A_354 = arith.index_cast %rem3A_45 : i32 to index
        %get3A_355 = arith.index_cast %get3A_353 : i32 to index
        %get3A_356 = arith.index_cast %mul3A_352 : i32 to index
        %get3A_357 = tpu.vector_load %arg6[%get3A_354, %get3A_355, %get3A_356] {strides = array<i32>} : memref<2x3x640xi32, #tpu.memory_space<vmem>>, vector<1x1x16xi32>,
        %get3A_358 = vector.shape_cast %get3A_357 : vector<1x1x16xi32> to vector<16xi32>
        %get3A_359 = arith.constant 1 : i32
        %get3A_360 = arith.index_cast %rem3A_45 : i32 to index
        %get3A_361 = arith.index_cast %get3A_359 : i32 to index
        %get3A_362 = arith.index_cast %mul3A_352 : i32 to index
        %get3A_363 = tpu.vector_load %arg6[%get3A_360, %get3A_361, %get3A_362] {strides = array<i32>} : memref<2x3x640xi32, #tpu.memory_space<vmem>>, vector<1x1x16xi32>,
        %get3A_364 = vector.shape_cast %get3A_363 : vector<1x1x16xi32> to vector<16xi32>
        %get3A_365 = arith.constant 2 : i32
        %get3A_366 = arith.index_cast %rem3A_45 : i32 to index
        %get3A_367 = arith.index_cast %get3A_365 : i32 to index
        %get3A_368 = arith.index_cast %mul3A_352 : i32 to index
        %get3A_369 = tpu.vector_load %arg6[%get3A_366, %get3A_367, %get3A_368] {strides = array<i32>} : memref<2x3x640xi32, #tpu.memory_space<vmem>>, vector<1x1x16xi32>,
        %get3A_370 = vector.shape_cast %get3A_369 : vector<1x1x16xi32> to vector<16xi32>
        %mul3A_371 = arith.constant 16 : i32
        %mul3A_372 = vector.broadcast %mul3A_371 : i32 to vector<16xi32>
        %mul3A_373 = arith.muli %get3A_358, %mul3A_372 : vector<16xi32>
        %mul3A_374 = arith.constant 2 : i32
        %mul3A_375 = vector.broadcast %mul3A_374 : i32 to vector<16xi32>
        %mul3A_376 = arith.muli %get3A_364, %mul3A_375 : vector<16xi32>
        %add3A_377 = arith.addi %mul3A_373, %mul3A_376 : vector<16xi32>
        %add3A_378 = arith.addi %add3A_377, %get3A_370 : vector<16xi32>
        %swap3A_379 = arith.index_cast %rem3A_45 : i32 to index
        %swap3A_380 = arith.index_cast %mul3A_352 : i32 to index
        %swap3A_381 = tpu.vector_load %arg7[%swap3A_379, %swap3A_380] {strides = array<i32>} : memref<2x640xi32, #tpu.memory_space<vmem>>, vector<1x16xi32>,
        %swap3A_382 = vector.shape_cast %swap3A_381 : vector<1x16xi32> to vector<16xi32>
        %swap3A_383 = vector.shape_cast %add3A_378 : vector<16xi32> to vector<1x16xi32>
        tpu.vector_store %arg7[%swap3A_379, %swap3A_380], %swap3A_383 {strides = array<i32>} : memref<2x640xi32, #tpu.memory_space<vmem>>, vector<1x16xi32>,
        %scan3A_384 = arith.constant 5 : i32
        %scan3A_385 = arith.addi %scan3A_212, %scan3A_384 : i32
        %mul3A_386 = arith.constant 16 : i32
        %mul3A_387 = arith.muli %scan3A_385, %mul3A_386 : i32
        %get3A_388 = arith.constant 0 : i32
        %get3A_389 = arith.index_cast %rem3A_45 : i32 to index
        %get3A_390 = arith.index_cast %get3A_388 : i32 to index
        %get3A_391 = arith.index_cast %mul3A_387 : i32 to index
        %get3A_392 = tpu.vector_load %arg6[%get3A_389, %get3A_390, %get3A_391] {strides = array<i32>} : memref<2x3x640xi32, #tpu.memory_space<vmem>>, vector<1x1x16xi32>,
        %get3A_393 = vector.shape_cast %get3A_392 : vector<1x1x16xi32> to vector<16xi32>
        %get3A_394 = arith.constant 1 : i32
        %get3A_395 = arith.index_cast %rem3A_45 : i32 to index
        %get3A_396 = arith.index_cast %get3A_394 : i32 to index
        %get3A_397 = arith.index_cast %mul3A_387 : i32 to index
        %get3A_398 = tpu.vector_load %arg6[%get3A_395, %get3A_396, %get3A_397] {strides = array<i32>} : memref<2x3x640xi32, #tpu.memory_space<vmem>>, vector<1x1x16xi32>,
        %get3A_399 = vector.shape_cast %get3A_398 : vector<1x1x16xi32> to vector<16xi32>
        %get3A_400 = arith.constant 2 : i32
        %get3A_401 = arith.index_cast %rem3A_45 : i32 to index
        %get3A_402 = arith.index_cast %get3A_400 : i32 to index
        %get3A_403 = arith.index_cast %mul3A_387 : i32 to index
        %get3A_404 = tpu.vector_load %arg6[%get3A_401, %get3A_402, %get3A_403] {strides = array<i32>} : memref<2x3x640xi32, #tpu.memory_space<vmem>>, vector<1x1x16xi32>,
        %get3A_405 = vector.shape_cast %get3A_404 : vector<1x1x16xi32> to vector<16xi32>
        %mul3A_406 = arith.constant 16 : i32
        %mul3A_407 = vector.broadcast %mul3A_406 : i32 to vector<16xi32>
        %mul3A_408 = arith.muli %get3A_393, %mul3A_407 : vector<16xi32>
        %mul3A_409 = arith.constant 2 : i32
        %mul3A_410 = vector.broadcast %mul3A_409 : i32 to vector<16xi32>
        %mul3A_411 = arith.muli %get3A_399, %mul3A_410 : vector<16xi32>
        %add3A_412 = arith.addi %mul3A_408, %mul3A_411 : vector<16xi32>
        %add3A_413 = arith.addi %add3A_412, %get3A_405 : vector<16xi32>
        %swap3A_414 = arith.index_cast %rem3A_45 : i32 to index
        %swap3A_415 = arith.index_cast %mul3A_387 : i32 to index
        %swap3A_416 = tpu.vector_load %arg7[%swap3A_414, %swap3A_415] {strides = array<i32>} : memref<2x640xi32, #tpu.memory_space<vmem>>, vector<1x16xi32>,
        %swap3A_417 = vector.shape_cast %swap3A_416 : vector<1x16xi32> to vector<16xi32>
        %swap3A_418 = vector.shape_cast %add3A_413 : vector<16xi32> to vector<1x16xi32>
        tpu.vector_store %arg7[%swap3A_414, %swap3A_415], %swap3A_418 {strides = array<i32>} : memref<2x640xi32, #tpu.memory_space<vmem>>, vector<1x16xi32>,
        %scan3A_419 = arith.constant 6 : i32
        %scan3A_420 = arith.addi %scan3A_212, %scan3A_419 : i32
        %mul3A_421 = arith.constant 16 : i32
        %mul3A_422 = arith.muli %scan3A_420, %mul3A_421 : i32
        %get3A_423 = arith.constant 0 : i32
        %get3A_424 = arith.index_cast %rem3A_45 : i32 to index
        %get3A_425 = arith.index_cast %get3A_423 : i32 to index
        %get3A_426 = arith.index_cast %mul3A_422 : i32 to index
        %get3A_427 = tpu.vector_load %arg6[%get3A_424, %get3A_425, %get3A_426] {strides = array<i32>} : memref<2x3x640xi32, #tpu.memory_space<vmem>>, vector<1x1x16xi32>,
        %get3A_428 = vector.shape_cast %get3A_427 : vector<1x1x16xi32> to vector<16xi32>
        %get3A_429 = arith.constant 1 : i32
        %get3A_430 = arith.index_cast %rem3A_45 : i32 to index
        %get3A_431 = arith.index_cast %get3A_429 : i32 to index
        %get3A_432 = arith.index_cast %mul3A_422 : i32 to index
        %get3A_433 = tpu.vector_load %arg6[%get3A_430, %get3A_431, %get3A_432] {strides = array<i32>} : memref<2x3x640xi32, #tpu.memory_space<vmem>>, vector<1x1x16xi32>,
        %get3A_434 = vector.shape_cast %get3A_433 : vector<1x1x16xi32> to vector<16xi32>
        %get3A_435 = arith.constant 2 : i32
        %get3A_436 = arith.index_cast %rem3A_45 : i32 to index
        %get3A_437 = arith.index_cast %get3A_435 : i32 to index
        %get3A_438 = arith.index_cast %mul3A_422 : i32 to index
        %get3A_439 = tpu.vector_load %arg6[%get3A_436, %get3A_437, %get3A_438] {strides = array<i32>} : memref<2x3x640xi32, #tpu.memory_space<vmem>>, vector<1x1x16xi32>,
        %get3A_440 = vector.shape_cast %get3A_439 : vector<1x1x16xi32> to vector<16xi32>
        %mul3A_441 = arith.constant 16 : i32
        %mul3A_442 = vector.broadcast %mul3A_441 : i32 to vector<16xi32>
        %mul3A_443 = arith.muli %get3A_428, %mul3A_442 : vector<16xi32>
        %mul3A_444 = arith.constant 2 : i32
        %mul3A_445 = vector.broadcast %mul3A_444 : i32 to vector<16xi32>
        %mul3A_446 = arith.muli %get3A_434, %mul3A_445 : vector<16xi32>
        %add3A_447 = arith.addi %mul3A_443, %mul3A_446 : vector<16xi32>
        %add3A_448 = arith.addi %add3A_447, %get3A_440 : vector<16xi32>
        %swap3A_449 = arith.index_cast %rem3A_45 : i32 to index
        %swap3A_450 = arith.index_cast %mul3A_422 : i32 to index
        %swap3A_451 = tpu.vector_load %arg7[%swap3A_449, %swap3A_450] {strides = array<i32>} : memref<2x640xi32, #tpu.memory_space<vmem>>, vector<1x16xi32>,
        %swap3A_452 = vector.shape_cast %swap3A_451 : vector<1x16xi32> to vector<16xi32>
        %swap3A_453 = vector.shape_cast %add3A_448 : vector<16xi32> to vector<1x16xi32>
        tpu.vector_store %arg7[%swap3A_449, %swap3A_450], %swap3A_453 {strides = array<i32>} : memref<2x640xi32, #tpu.memory_space<vmem>>, vector<1x16xi32>,
        %scan3A_454 = arith.constant 7 : i32
        %scan3A_455 = arith.addi %scan3A_212, %scan3A_454 : i32
        %mul3A_456 = arith.constant 16 : i32
        %mul3A_457 = arith.muli %scan3A_455, %mul3A_456 : i32
        %get3A_458 = arith.constant 0 : i32
        %get3A_459 = arith.index_cast %rem3A_45 : i32 to index
        %get3A_460 = arith.index_cast %get3A_458 : i32 to index
        %get3A_461 = arith.index_cast %mul3A_457 : i32 to index
        %get3A_462 = tpu.vector_load %arg6[%get3A_459, %get3A_460, %get3A_461] {strides = array<i32>} : memref<2x3x640xi32, #tpu.memory_space<vmem>>, vector<1x1x16xi32>,
        %get3A_463 = vector.shape_cast %get3A_462 : vector<1x1x16xi32> to vector<16xi32>
        %get3A_464 = arith.constant 1 : i32
        %get3A_465 = arith.index_cast %rem3A_45 : i32 to index
        %get3A_466 = arith.index_cast %get3A_464 : i32 to index
        %get3A_467 = arith.index_cast %mul3A_457 : i32 to index
        %get3A_468 = tpu.vector_load %arg6[%get3A_465, %get3A_466, %get3A_467] {strides = array<i32>} : memref<2x3x640xi32, #tpu.memory_space<vmem>>, vector<1x1x16xi32>,
        %get3A_469 = vector.shape_cast %get3A_468 : vector<1x1x16xi32> to vector<16xi32>
        %get3A_470 = arith.constant 2 : i32
        %get3A_471 = arith.index_cast %rem3A_45 : i32 to index
        %get3A_472 = arith.index_cast %get3A_470 : i32 to index
        %get3A_473 = arith.index_cast %mul3A_457 : i32 to index
        %get3A_474 = tpu.vector_load %arg6[%get3A_471, %get3A_472, %get3A_473] {strides = array<i32>} : memref<2x3x640xi32, #tpu.memory_space<vmem>>, vector<1x1x16xi32>,
        %get3A_475 = vector.shape_cast %get3A_474 : vector<1x1x16xi32> to vector<16xi32>
        %mul3A_476 = arith.constant 16 : i32
        %mul3A_477 = vector.broadcast %mul3A_476 : i32 to vector<16xi32>
        %mul3A_478 = arith.muli %get3A_463, %mul3A_477 : vector<16xi32>
        %mul3A_479 = arith.constant 2 : i32
        %mul3A_480 = vector.broadcast %mul3A_479 : i32 to vector<16xi32>
        %mul3A_481 = arith.muli %get3A_469, %mul3A_480 : vector<16xi32>
        %add3A_482 = arith.addi %mul3A_478, %mul3A_481 : vector<16xi32>
        %add3A_483 = arith.addi %add3A_482, %get3A_475 : vector<16xi32>
        %swap3A_484 = arith.index_cast %rem3A_45 : i32 to index
        %swap3A_485 = arith.index_cast %mul3A_457 : i32 to index
        %swap3A_486 = tpu.vector_load %arg7[%swap3A_484, %swap3A_485] {strides = array<i32>} : memref<2x640xi32, #tpu.memory_space<vmem>>, vector<1x16xi32>,
        %swap3A_487 = vector.shape_cast %swap3A_486 : vector<1x16xi32> to vector<16xi32>
        %swap3A_488 = vector.shape_cast %add3A_483 : vector<16xi32> to vector<1x16xi32>
        tpu.vector_store %arg7[%swap3A_484, %swap3A_485], %swap3A_488 {strides = array<i32>} : memref<2x640xi32, #tpu.memory_space<vmem>>, vector<1x16xi32>,
      }
      %scan3A_95 = arith.constant 40 : i32
      %dma_start3A = arith.constant 0 : i32
      %dma_start3A_96 = arith.constant 0 : i32
      %dma_start3A_97 = tpu.memref_slice %arg8[%rem3A_45, %dma_start3A, %dma_start3A_96] : memref<2x640x64xf32, #tpu.memory_space<vmem>> -> memref<1x128x64xf32, #tpu.memory_space<vmem>>
      %dma_start3A_98 = tpu.memref_squeeze %dma_start3A_97 : memref<1x128x64xf32, #tpu.memory_space<vmem>> -> memref<128x64xf32, #tpu.memory_space<vmem>>
      %dma_start3A_99 = arith.constant 0 : i32
      %dma_start3A_100 = tpu.memref_slice %arg7[%rem3A_45, %dma_start3A_99] : memref<2x640xi32, #tpu.memory_space<vmem>> -> memref<1x128xi32, #tpu.memory_space<vmem>>
      %dma_start3A_101 = tpu.memref_squeeze %dma_start3A_100 : memref<1x128xi32, #tpu.memory_space<vmem>> -> memref<128xi32, #tpu.memory_space<vmem>>
      %dma_start3A_102 = arith.constant 0 : i32
      %dma_start3A_103 = arith.constant 0 : i32
      %dma_start3A_104 = tpu.memref_slice %arg5[%dma_start3A_102, %dma_start3A_103] : memref<512x64xf32, #tpu.memory_space<vmem_shared>> -> memref<512x64xf32, #tpu.memory_space<vmem_shared>>
      tpu.enqueue_indirect_dma source(%dma_start3A_104 : memref<512x64xf32, #tpu.memory_space<vmem_shared>>) target(%dma_start3A_98 : memref<128x64xf32, #tpu.memory_space<vmem>>) offsets(%dma_start3A_101 : memref<128xi32, #tpu.memory_space<vmem>>) semaphore(%arg11 : memref<!tpu.dma_semaphore, #tpu.memory_space<semaphore_mem>>)
      %dma_start3A_105 = arith.constant 128 : i32
      %dma_start3A_106 = arith.constant 0 : i32
      %dma_start3A_107 = tpu.memref_slice %arg8[%rem3A_45, %dma_start3A_105, %dma_start3A_106] : memref<2x640x64xf32, #tpu.memory_space<vmem>> -> memref<1x128x64xf32, #tpu.memory_space<vmem>>
      %dma_start3A_108 = tpu.memref_squeeze %dma_start3A_107 : memref<1x128x64xf32, #tpu.memory_space<vmem>> -> memref<128x64xf32, #tpu.memory_space<vmem>>
      %dma_start3A_109 = arith.constant 128 : i32
      %dma_start3A_110 = tpu.memref_slice %arg7[%rem3A_45, %dma_start3A_109] : memref<2x640xi32, #tpu.memory_space<vmem>> -> memref<1x128xi32, #tpu.memory_space<vmem>>
      %dma_start3A_111 = tpu.memref_squeeze %dma_start3A_110 : memref<1x128xi32, #tpu.memory_space<vmem>> -> memref<128xi32, #tpu.memory_space<vmem>>
      %dma_start3A_112 = arith.constant 0 : i32
      %dma_start3A_113 = arith.constant 0 : i32
      %dma_start3A_114 = tpu.memref_slice %arg5[%dma_start3A_112, %dma_start3A_113] : memref<512x64xf32, #tpu.memory_space<vmem_shared>> -> memref<512x64xf32, #tpu.memory_space<vmem_shared>>
      tpu.enqueue_indirect_dma source(%dma_start3A_114 : memref<512x64xf32, #tpu.memory_space<vmem_shared>>) target(%dma_start3A_108 : memref<128x64xf32, #tpu.memory_space<vmem>>) offsets(%dma_start3A_111 : memref<128xi32, #tpu.memory_space<vmem>>) semaphore(%arg11 : memref<!tpu.dma_semaphore, #tpu.memory_space<semaphore_mem>>)
      %dma_start3A_115 = arith.constant 256 : i32
      %dma_start3A_116 = arith.constant 0 : i32
      %dma_start3A_117 = tpu.memref_slice %arg8[%rem3A_45, %dma_start3A_115, %dma_start3A_116] : memref<2x640x64xf32, #tpu.memory_space<vmem>> -> memref<1x128x64xf32, #tpu.memory_space<vmem>>
      %dma_start3A_118 = tpu.memref_squeeze %dma_start3A_117 : memref<1x128x64xf32, #tpu.memory_space<vmem>> -> memref<128x64xf32, #tpu.memory_space<vmem>>
      %dma_start3A_119 = arith.constant 256 : i32
      %dma_start3A_120 = tpu.memref_slice %arg7[%rem3A_45, %dma_start3A_119] : memref<2x640xi32, #tpu.memory_space<vmem>> -> memref<1x128xi32, #tpu.memory_space<vmem>>
      %dma_start3A_121 = tpu.memref_squeeze %dma_start3A_120 : memref<1x128xi32, #tpu.memory_space<vmem>> -> memref<128xi32, #tpu.memory_space<vmem>>
      %dma_start3A_122 = arith.constant 0 : i32
      %dma_start3A_123 = arith.constant 0 : i32
      %dma_start3A_124 = tpu.memref_slice %arg5[%dma_start3A_122, %dma_start3A_123] : memref<512x64xf32, #tpu.memory_space<vmem_shared>> -> memref<512x64xf32, #tpu.memory_space<vmem_shared>>
      tpu.enqueue_indirect_dma source(%dma_start3A_124 : memref<512x64xf32, #tpu.memory_space<vmem_shared>>) target(%dma_start3A_118 : memref<128x64xf32, #tpu.memory_space<vmem>>) offsets(%dma_start3A_121 : memref<128xi32, #tpu.memory_space<vmem>>) semaphore(%arg11 : memref<!tpu.dma_semaphore, #tpu.memory_space<semaphore_mem>>)
      %dma_start3A_125 = arith.constant 384 : i32
      %dma_start3A_126 = arith.constant 0 : i32
      %dma_start3A_127 = tpu.memref_slice %arg8[%rem3A_45, %dma_start3A_125, %dma_start3A_126] : memref<2x640x64xf32, #tpu.memory_space<vmem>> -> memref<1x128x64xf32, #tpu.memory_space<vmem>>
      %dma_start3A_128 = tpu.memref_squeeze %dma_start3A_127 : memref<1x128x64xf32, #tpu.memory_space<vmem>> -> memref<128x64xf32, #tpu.memory_space<vmem>>
      %dma_start3A_129 = arith.constant 384 : i32
      %dma_start3A_130 = tpu.memref_slice %arg7[%rem3A_45, %dma_start3A_129] : memref<2x640xi32, #tpu.memory_space<vmem>> -> memref<1x128xi32, #tpu.memory_space<vmem>>
      %dma_start3A_131 = tpu.memref_squeeze %dma_start3A_130 : memref<1x128xi32, #tpu.memory_space<vmem>> -> memref<128xi32, #tpu.memory_space<vmem>>
      %dma_start3A_132 = arith.constant 0 : i32
      %dma_start3A_133 = arith.constant 0 : i32
      %dma_start3A_134 = tpu.memref_slice %arg5[%dma_start3A_132, %dma_start3A_133] : memref<512x64xf32, #tpu.memory_space<vmem_shared>> -> memref<512x64xf32, #tpu.memory_space<vmem_shared>>
      tpu.enqueue_indirect_dma source(%dma_start3A_134 : memref<512x64xf32, #tpu.memory_space<vmem_shared>>) target(%dma_start3A_128 : memref<128x64xf32, #tpu.memory_space<vmem>>) offsets(%dma_start3A_131 : memref<128xi32, #tpu.memory_space<vmem>>) semaphore(%arg11 : memref<!tpu.dma_semaphore, #tpu.memory_space<semaphore_mem>>)
      %dma_start3A_135 = arith.constant 512 : i32
      %dma_start3A_136 = arith.constant 0 : i32
      %dma_start3A_137 = tpu.memref_slice %arg8[%rem3A_45, %dma_start3A_135, %dma_start3A_136] : memref<2x640x64xf32, #tpu.memory_space<vmem>> -> memref<1x128x64xf32, #tpu.memory_space<vmem>>
      %dma_start3A_138 = tpu.memref_squeeze %dma_start3A_137 : memref<1x128x64xf32, #tpu.memory_space<vmem>> -> memref<128x64xf32, #tpu.memory_space<vmem>>
      %dma_start3A_139 = arith.constant 512 : i32
      %dma_start3A_140 = tpu.memref_slice %arg7[%rem3A_45, %dma_start3A_139] : memref<2x640xi32, #tpu.memory_space<vmem>> -> memref<1x128xi32, #tpu.memory_space<vmem>>
      %dma_start3A_141 = tpu.memref_squeeze %dma_start3A_140 : memref<1x128xi32, #tpu.memory_space<vmem>> -> memref<128xi32, #tpu.memory_space<vmem>>
      %dma_start3A_142 = arith.constant 0 : i32
      %dma_start3A_143 = arith.constant 0 : i32
      %dma_start3A_144 = tpu.memref_slice %arg5[%dma_start3A_142, %dma_start3A_143] : memref<512x64xf32, #tpu.memory_space<vmem_shared>> -> memref<512x64xf32, #tpu.memory_space<vmem_shared>>
      tpu.enqueue_indirect_dma source(%dma_start3A_144 : memref<512x64xf32, #tpu.memory_space<vmem_shared>>) target(%dma_start3A_138 : memref<128x64xf32, #tpu.memory_space<vmem>>) offsets(%dma_start3A_141 : memref<128xi32, #tpu.memory_space<vmem>>) semaphore(%arg11 : memref<!tpu.dma_semaphore, #tpu.memory_space<semaphore_mem>>)
      %dma_wait3A_145 = arith.constant 0 : i32
      %dma_wait3A_146 = arith.constant 0 : i32
      %dma_wait3A_147 = tpu.memref_slice %arg8[%rem3A_45, %dma_wait3A_145, %dma_wait3A_146] : memref<2x640x64xf32, #tpu.memory_space<vmem>> -> memref<1x128x64xf32, #tpu.memory_space<vmem>>
      %dma_wait3A_148 = tpu.memref_squeeze %dma_wait3A_147 : memref<1x128x64xf32, #tpu.memory_space<vmem>> -> memref<128x64xf32, #tpu.memory_space<vmem>>
      %dma_wait3A_149 = arith.constant 0 : i32
      %dma_wait3A_150 = tpu.memref_slice %arg7[%rem3A_45, %dma_wait3A_149] : memref<2x640xi32, #tpu.memory_space<vmem>> -> memref<1x128xi32, #tpu.memory_space<vmem>>
      %dma_wait3A_151 = tpu.memref_squeeze %dma_wait3A_150 : memref<1x128xi32, #tpu.memory_space<vmem>> -> memref<128xi32, #tpu.memory_space<vmem>>
      %dma_wait3A_152 = arith.constant 0 : i32
      %dma_wait3A_153 = arith.constant 0 : i32
      %dma_wait3A_154 = tpu.memref_slice %arg5[%dma_wait3A_152, %dma_wait3A_153] : memref<512x64xf32, #tpu.memory_space<vmem_shared>> -> memref<512x64xf32, #tpu.memory_space<vmem_shared>>
      tpu.wait_indirect_dma semaphore(%arg11 : memref<!tpu.dma_semaphore, #tpu.memory_space<semaphore_mem>>) src(%dma_wait3A_154 : memref<512x64xf32, #tpu.memory_space<vmem_shared>>) dst(%dma_wait3A_148 : memref<128x64xf32, #tpu.memory_space<vmem>>)
      %dma_wait3A_155 = arith.constant 128 : i32
      %dma_wait3A_156 = arith.constant 0 : i32
      %dma_wait3A_157 = tpu.memref_slice %arg8[%rem3A_45, %dma_wait3A_155, %dma_wait3A_156] : memref<2x640x64xf32, #tpu.memory_space<vmem>> -> memref<1x128x64xf32, #tpu.memory_space<vmem>>
      %dma_wait3A_158 = tpu.memref_squeeze %dma_wait3A_157 : memref<1x128x64xf32, #tpu.memory_space<vmem>> -> memref<128x64xf32, #tpu.memory_space<vmem>>
      %dma_wait3A_159 = arith.constant 128 : i32
      %dma_wait3A_160 = tpu.memref_slice %arg7[%rem3A_45, %dma_wait3A_159] : memref<2x640xi32, #tpu.memory_space<vmem>> -> memref<1x128xi32, #tpu.memory_space<vmem>>
      %dma_wait3A_161 = tpu.memref_squeeze %dma_wait3A_160 : memref<1x128xi32, #tpu.memory_space<vmem>> -> memref<128xi32, #tpu.memory_space<vmem>>
      %dma_wait3A_162 = arith.constant 0 : i32
      %dma_wait3A_163 = arith.constant 0 : i32
      %dma_wait3A_164 = tpu.memref_slice %arg5[%dma_wait3A_162, %dma_wait3A_163] : memref<512x64xf32, #tpu.memory_space<vmem_shared>> -> memref<512x64xf32, #tpu.memory_space<vmem_shared>>
      tpu.wait_indirect_dma semaphore(%arg11 : memref<!tpu.dma_semaphore, #tpu.memory_space<semaphore_mem>>) src(%dma_wait3A_164 : memref<512x64xf32, #tpu.memory_space<vmem_shared>>) dst(%dma_wait3A_158 : memref<128x64xf32, #tpu.memory_space<vmem>>)
      %dma_wait3A_165 = arith.constant 256 : i32
      %dma_wait3A_166 = arith.constant 0 : i32
      %dma_wait3A_167 = tpu.memref_slice %arg8[%rem3A_45, %dma_wait3A_165, %dma_wait3A_166] : memref<2x640x64xf32, #tpu.memory_space<vmem>> -> memref<1x128x64xf32, #tpu.memory_space<vmem>>
      %dma_wait3A_168 = tpu.memref_squeeze %dma_wait3A_167 : memref<1x128x64xf32, #tpu.memory_space<vmem>> -> memref<128x64xf32, #tpu.memory_space<vmem>>
      %dma_wait3A_169 = arith.constant 256 : i32
      %dma_wait3A_170 = tpu.memref_slice %arg7[%rem3A_45, %dma_wait3A_169] : memref<2x640xi32, #tpu.memory_space<vmem>> -> memref<1x128xi32, #tpu.memory_space<vmem>>
      %dma_wait3A_171 = tpu.memref_squeeze %dma_wait3A_170 : memref<1x128xi32, #tpu.memory_space<vmem>> -> memref<128xi32, #tpu.memory_space<vmem>>
      %dma_wait3A_172 = arith.constant 0 : i32
      %dma_wait3A_173 = arith.constant 0 : i32
      %dma_wait3A_174 = tpu.memref_slice %arg5[%dma_wait3A_172, %dma_wait3A_173] : memref<512x64xf32, #tpu.memory_space<vmem_shared>> -> memref<512x64xf32, #tpu.memory_space<vmem_shared>>
      tpu.wait_indirect_dma semaphore(%arg11 : memref<!tpu.dma_semaphore, #tpu.memory_space<semaphore_mem>>) src(%dma_wait3A_174 : memref<512x64xf32, #tpu.memory_space<vmem_shared>>) dst(%dma_wait3A_168 : memref<128x64xf32, #tpu.memory_space<vmem>>)
      %dma_wait3A_175 = arith.constant 384 : i32
      %dma_wait3A_176 = arith.constant 0 : i32
      %dma_wait3A_177 = tpu.memref_slice %arg8[%rem3A_45, %dma_wait3A_175, %dma_wait3A_176] : memref<2x640x64xf32, #tpu.memory_space<vmem>> -> memref<1x128x64xf32, #tpu.memory_space<vmem>>
      %dma_wait3A_178 = tpu.memref_squeeze %dma_wait3A_177 : memref<1x128x64xf32, #tpu.memory_space<vmem>> -> memref<128x64xf32, #tpu.memory_space<vmem>>
      %dma_wait3A_179 = arith.constant 384 : i32
      %dma_wait3A_180 = tpu.memref_slice %arg7[%rem3A_45, %dma_wait3A_179] : memref<2x640xi32, #tpu.memory_space<vmem>> -> memref<1x128xi32, #tpu.memory_space<vmem>>
      %dma_wait3A_181 = tpu.memref_squeeze %dma_wait3A_180 : memref<1x128xi32, #tpu.memory_space<vmem>> -> memref<128xi32, #tpu.memory_space<vmem>>
      %dma_wait3A_182 = arith.constant 0 : i32
      %dma_wait3A_183 = arith.constant 0 : i32
      %dma_wait3A_184 = tpu.memref_slice %arg5[%dma_wait3A_182, %dma_wait3A_183] : memref<512x64xf32, #tpu.memory_space<vmem_shared>> -> memref<512x64xf32, #tpu.memory_space<vmem_shared>>
      tpu.wait_indirect_dma semaphore(%arg11 : memref<!tpu.dma_semaphore, #tpu.memory_space<semaphore_mem>>) src(%dma_wait3A_184 : memref<512x64xf32, #tpu.memory_space<vmem_shared>>) dst(%dma_wait3A_178 : memref<128x64xf32, #tpu.memory_space<vmem>>)
      %dma_wait3A_185 = arith.constant 512 : i32
      %dma_wait3A_186 = arith.constant 0 : i32
      %dma_wait3A_187 = tpu.memref_slice %arg8[%rem3A_45, %dma_wait3A_185, %dma_wait3A_186] : memref<2x640x64xf32, #tpu.memory_space<vmem>> -> memref<1x128x64xf32, #tpu.memory_space<vmem>>
      %dma_wait3A_188 = tpu.memref_squeeze %dma_wait3A_187 : memref<1x128x64xf32, #tpu.memory_space<vmem>> -> memref<128x64xf32, #tpu.memory_space<vmem>>
      %dma_wait3A_189 = arith.constant 512 : i32
      %dma_wait3A_190 = tpu.memref_slice %arg7[%rem3A_45, %dma_wait3A_189] : memref<2x640xi32, #tpu.memory_space<vmem>> -> memref<1x128xi32, #tpu.memory_space<vmem>>
      %dma_wait3A_191 = tpu.memref_squeeze %dma_wait3A_190 : memref<1x128xi32, #tpu.memory_space<vmem>> -> memref<128xi32, #tpu.memory_space<vmem>>
      %dma_wait3A_192 = arith.constant 0 : i32
      %dma_wait3A_193 = arith.constant 0 : i32
      %dma_wait3A_194 = tpu.memref_slice %arg5[%dma_wait3A_192, %dma_wait3A_193] : memref<512x64xf32, #tpu.memory_space<vmem_shared>> -> memref<512x64xf32, #tpu.memory_space<vmem_shared>>
      tpu.wait_indirect_dma semaphore(%arg11 : memref<!tpu.dma_semaphore, #tpu.memory_space<semaphore_mem>>) src(%dma_wait3A_194 : memref<512x64xf32, #tpu.memory_space<vmem_shared>>) dst(%dma_wait3A_188 : memref<128x64xf32, #tpu.memory_space<vmem>>)
      %ge3A_195 = arith.constant 1 : i32
      %ge3A_196 = arith.cmpi sge, %while3A_38, %ge3A_195 : i32
      %convert_element_type3A_197 = arith.extui %ge3A_196 : i1 to i32
      %cond3A_198 = arith.constant 0 : i32
      %cond3A_199 = arith.cmpi ne, %convert_element_type3A_197, %cond3A_198 : i32
      scf.if %cond3A_199 {
        %dma_wait3A_212 = arith.constant 0 : i32
        %dma_wait3A_213 = arith.constant 0 : i32
        %dma_wait3A_214 = tpu.memref_slice %arg8[%rem3A_45, %dma_wait3A_212, %dma_wait3A_213] : memref<2x640x64xf32, #tpu.memory_space<vmem>> -> memref<1x640x64xf32, #tpu.memory_space<vmem>>
        %dma_wait3A_215 = tpu.memref_squeeze %dma_wait3A_214 : memref<1x640x64xf32, #tpu.memory_space<vmem>> -> memref<640x64xf32, #tpu.memory_space<vmem>>
        %dma_wait3A_216 = arith.constant 0 : i32
        %dma_wait3A_217 = tpu.memref_slice %arg4[%mul3A_43, %dma_wait3A_216] : memref<800000x64xf32, #tpu.memory_space<hbm>> -> memref<640x64xf32, #tpu.memory_space<hbm>>
        %dma_wait3A_218 = arith.constant 0 : i32
        %dma_wait3A_219 = tpu.memref_slice %arg4[%mul3A_43, %dma_wait3A_218] : memref<800000x64xf32, #tpu.memory_space<hbm>> -> memref<640x64xf32, #tpu.memory_space<hbm>>
        %dma_wait3A_220 = arith.constant 0 : i32
        %dma_wait3A_221 = arith.constant 0 : i32
        %dma_wait3A_222 = tpu.memref_slice %arg8[%rem3A_45, %dma_wait3A_220, %dma_wait3A_221] : memref<2x640x64xf32, #tpu.memory_space<vmem>> -> memref<1x640x64xf32, #tpu.memory_space<vmem>>
        %dma_wait3A_223 = tpu.memref_squeeze %dma_wait3A_222 : memref<1x640x64xf32, #tpu.memory_space<vmem>> -> memref<640x64xf32, #tpu.memory_space<vmem>>
        tpu.wait_dma2 semaphore(%arg12 : memref<!tpu.dma_semaphore, #tpu.memory_space<semaphore_mem>>) src(%dma_wait3A_223 : memref<640x64xf32, #tpu.memory_space<vmem>>) dst(%dma_wait3A_219 : memref<640x64xf32, #tpu.memory_space<hbm>>)
      } else {
      }
      %dma_start3A_200 = arith.constant 0 : i32
      %dma_start3A_201 = arith.constant 0 : i32
      %dma_start3A_202 = tpu.memref_slice %arg8[%rem3A_45, %dma_start3A_200, %dma_start3A_201] : memref<2x640x64xf32, #tpu.memory_space<vmem>> -> memref<1x640x64xf32, #tpu.memory_space<vmem>>
      %dma_start3A_203 = tpu.memref_squeeze %dma_start3A_202 : memref<1x640x64xf32, #tpu.memory_space<vmem>> -> memref<640x64xf32, #tpu.memory_space<vmem>>
      %dma_start3A_204 = arith.constant 0 : i32
      %dma_start3A_205 = tpu.memref_slice %arg4[%mul3A_43, %dma_start3A_204] : memref<800000x64xf32, #tpu.memory_space<hbm>> -> memref<640x64xf32, #tpu.memory_space<hbm>>
      %dma_start3A_206 = arith.constant 0 : i32
      %dma_start3A_207 = tpu.memref_slice %arg4[%mul3A_43, %dma_start3A_206] : memref<800000x64xf32, #tpu.memory_space<hbm>> -> memref<640x64xf32, #tpu.memory_space<hbm>>
      %dma_start3A_208 = arith.constant 0 : i32
      %dma_start3A_209 = arith.constant 0 : i32
      %dma_start3A_210 = tpu.memref_slice %arg8[%rem3A_45, %dma_start3A_208, %dma_start3A_209] : memref<2x640x64xf32, #tpu.memory_space<vmem>> -> memref<1x640x64xf32, #tpu.memory_space<vmem>>
      %dma_start3A_211 = tpu.memref_squeeze %dma_start3A_210 : memref<1x640x64xf32, #tpu.memory_space<vmem>> -> memref<640x64xf32, #tpu.memory_space<vmem>>
      tpu.enqueue_dma source(%dma_start3A_211 : memref<640x64xf32, #tpu.memory_space<vmem>>) target(%dma_start3A_207 : memref<640x64xf32, #tpu.memory_space<hbm>>) target_semaphore(%arg12 : memref<!tpu.dma_semaphore, #tpu.memory_space<semaphore_mem>>)
    }
    %while3A_33 = arith.constant 1 : i32
    scf.for %while3A_38 = %while3A_31 to %while3A_27 step %while3A_33  : i32 {
      %mul3A_39 = arith.constant 32 : i32
      %mul3A_40 = arith.muli %while3A_38, %mul3A_39 : i32
      %add3A_41 = arith.addi %add3A, %mul3A_40 : i32
      %mul3A_42 = arith.constant 640 : i32
      %mul3A_43 = arith.muli %add3A_41, %mul3A_42 : i32
      %rem3A_44 = arith.constant 2 : i32
      %rem3A_45 = arith.remsi %while3A_38, %rem3A_44 : i32
      %eq3A_46 = arith.constant 0 : i32
      %eq3A_47 = arith.cmpi eq, %while3A_38, %eq3A_46 : i32
      %convert_element_type3A_48 = arith.extui %eq3A_47 : i1 to i32
      %cond3A_49 = arith.constant 0 : i32
      %cond3A_50 = arith.cmpi ne, %convert_element_type3A_48, %cond3A_49 : i32
      scf.if %cond3A_50 {
        %dma_start3A_212 = arith.constant 0 : i32
        %dma_start3A_213 = arith.constant 0 : i32
        %dma_start3A_214 = arith.constant 0 : i32
        %dma_start3A_215 = arith.constant 0 : i32
        %dma_start3A_216 = tpu.memref_slice %arg6[%dma_start3A_213, %dma_start3A_214, %dma_start3A_215] : memref<2x3x640xi32, #tpu.memory_space<vmem>> -> memref<1x1x640xi32, #tpu.memory_space<vmem>>
        %dma_start3A_217 = tpu.memref_squeeze %dma_start3A_216 : memref<1x1x640xi32, #tpu.memory_space<vmem>> -> memref<640xi32, #tpu.memory_space<vmem>>
        %dma_start3A_218 = tpu.memref_slice %arg3[%dma_start3A_212, %mul3A_43] : memref<3x800000xi32, #tpu.memory_space<hbm>> -> memref<1x640xi32, #tpu.memory_space<hbm>>
        %dma_start3A_219 = tpu.memref_squeeze %dma_start3A_218 : memref<1x640xi32, #tpu.memory_space<hbm>> -> memref<640xi32, #tpu.memory_space<hbm>>
        %dma_start3A_220 = arith.constant 0 : i32
        %dma_start3A_221 = tpu.memref_slice %arg6[%dma_start3A_213, %dma_start3A_214, %dma_start3A_220] : memref<2x3x640xi32, #tpu.memory_space<vmem>> -> memref<1x1x640xi32, #tpu.memory_space<vmem>>
        %dma_start3A_222 = tpu.memref_squeeze %dma_start3A_221 : memref<1x1x640xi32, #tpu.memory_space<vmem>> -> memref<640xi32, #tpu.memory_space<vmem>>
        %dma_start3A_223 = tpu.memref_slice %arg3[%dma_start3A_212, %mul3A_43] : memref<3x800000xi32, #tpu.memory_space<hbm>> -> memref<1x640xi32, #tpu.memory_space<hbm>>
        %dma_start3A_224 = tpu.memref_squeeze %dma_start3A_223 : memref<1x640xi32, #tpu.memory_space<hbm>> -> memref<640xi32, #tpu.memory_space<hbm>>
        tpu.enqueue_dma source(%dma_start3A_224 : memref<640xi32, #tpu.memory_space<hbm>>) target(%dma_start3A_222 : memref<640xi32, #tpu.memory_space<vmem>>) target_semaphore(%arg10 : memref<!tpu.dma_semaphore, #tpu.memory_space<semaphore_mem>>)
        %dma_start3A_225 = arith.constant 1 : i32
        %dma_start3A_226 = arith.constant 0 : i32
        %dma_start3A_227 = arith.constant 1 : i32
        %dma_start3A_228 = arith.constant 0 : i32
        %dma_start3A_229 = tpu.memref_slice %arg6[%dma_start3A_226, %dma_start3A_227, %dma_start3A_228] : memref<2x3x640xi32, #tpu.memory_space<vmem>> -> memref<1x1x640xi32, #tpu.memory_space<vmem>>
        %dma_start3A_230 = tpu.memref_squeeze %dma_start3A_229 : memref<1x1x640xi32, #tpu.memory_space<vmem>> -> memref<640xi32, #tpu.memory_space<vmem>>
        %dma_start3A_231 = tpu.memref_slice %arg3[%dma_start3A_225, %mul3A_43] : memref<3x800000xi32, #tpu.memory_space<hbm>> -> memref<1x640xi32, #tpu.memory_space<hbm>>
        %dma_start3A_232 = tpu.memref_squeeze %dma_start3A_231 : memref<1x640xi32, #tpu.memory_space<hbm>> -> memref<640xi32, #tpu.memory_space<hbm>>
        %dma_start3A_233 = arith.constant 0 : i32
        %dma_start3A_234 = tpu.memref_slice %arg6[%dma_start3A_226, %dma_start3A_227, %dma_start3A_233] : memref<2x3x640xi32, #tpu.memory_space<vmem>> -> memref<1x1x640xi32, #tpu.memory_space<vmem>>
        %dma_start3A_235 = tpu.memref_squeeze %dma_start3A_234 : memref<1x1x640xi32, #tpu.memory_space<vmem>> -> memref<640xi32, #tpu.memory_space<vmem>>
        %dma_start3A_236 = tpu.memref_slice %arg3[%dma_start3A_225, %mul3A_43] : memref<3x800000xi32, #tpu.memory_space<hbm>> -> memref<1x640xi32, #tpu.memory_space<hbm>>
        %dma_start3A_237 = tpu.memref_squeeze %dma_start3A_236 : memref<1x640xi32, #tpu.memory_space<hbm>> -> memref<640xi32, #tpu.memory_space<hbm>>
        tpu.enqueue_dma source(%dma_start3A_237 : memref<640xi32, #tpu.memory_space<hbm>>) target(%dma_start3A_235 : memref<640xi32, #tpu.memory_space<vmem>>) target_semaphore(%arg10 : memref<!tpu.dma_semaphore, #tpu.memory_space<semaphore_mem>>)
        %dma_start3A_238 = arith.constant 2 : i32
        %dma_start3A_239 = arith.constant 0 : i32
        %dma_start3A_240 = arith.constant 2 : i32
        %dma_start3A_241 = arith.constant 0 : i32
        %dma_start3A_242 = tpu.memref_slice %arg6[%dma_start3A_239, %dma_start3A_240, %dma_start3A_241] : memref<2x3x640xi32, #tpu.memory_space<vmem>> -> memref<1x1x640xi32, #tpu.memory_space<vmem>>
        %dma_start3A_243 = tpu.memref_squeeze %dma_start3A_242 : memref<1x1x640xi32, #tpu.memory_space<vmem>> -> memref<640xi32, #tpu.memory_space<vmem>>
        %dma_start3A_244 = tpu.memref_slice %arg3[%dma_start3A_238, %mul3A_43] : memref<3x800000xi32, #tpu.memory_space<hbm>> -> memref<1x640xi32, #tpu.memory_space<hbm>>
        %dma_start3A_245 = tpu.memref_squeeze %dma_start3A_244 : memref<1x640xi32, #tpu.memory_space<hbm>> -> memref<640xi32, #tpu.memory_space<hbm>>
        %dma_start3A_246 = arith.constant 0 : i32
        %dma_start3A_247 = tpu.memref_slice %arg6[%dma_start3A_239, %dma_start3A_240, %dma_start3A_246] : memref<2x3x640xi32, #tpu.memory_space<vmem>> -> memref<1x1x640xi32, #tpu.memory_space<vmem>>
        %dma_start3A_248 = tpu.memref_squeeze %dma_start3A_247 : memref<1x1x640xi32, #tpu.memory_space<vmem>> -> memref<640xi32, #tpu.memory_space<vmem>>
        %dma_start3A_249 = tpu.memref_slice %arg3[%dma_start3A_238, %mul3A_43] : memref<3x800000xi32, #tpu.memory_space<hbm>> -> memref<1x640xi32, #tpu.memory_space<hbm>>
        %dma_start3A_250 = tpu.memref_squeeze %dma_start3A_249 : memref<1x640xi32, #tpu.memory_space<hbm>> -> memref<640xi32, #tpu.memory_space<hbm>>
        tpu.enqueue_dma source(%dma_start3A_250 : memref<640xi32, #tpu.memory_space<hbm>>) target(%dma_start3A_248 : memref<640xi32, #tpu.memory_space<vmem>>) target_semaphore(%arg10 : memref<!tpu.dma_semaphore, #tpu.memory_space<semaphore_mem>>)
      } else {
      }
      %dma_wait3A = arith.constant 0 : i32
      %dma_wait3A_51 = arith.constant 0 : i32
      %dma_wait3A_52 = arith.constant 0 : i32
      %dma_wait3A_53 = tpu.memref_slice %arg6[%rem3A_45, %dma_wait3A_51, %dma_wait3A_52] : memref<2x3x640xi32, #tpu.memory_space<vmem>> -> memref<1x1x640xi32, #tpu.memory_space<vmem>>
      %dma_wait3A_54 = tpu.memref_squeeze %dma_wait3A_53 : memref<1x1x640xi32, #tpu.memory_space<vmem>> -> memref<640xi32, #tpu.memory_space<vmem>>
      %dma_wait3A_55 = tpu.memref_slice %arg3[%dma_wait3A, %mul3A_43] : memref<3x800000xi32, #tpu.memory_space<hbm>> -> memref<1x640xi32, #tpu.memory_space<hbm>>
      %dma_wait3A_56 = tpu.memref_squeeze %dma_wait3A_55 : memref<1x640xi32, #tpu.memory_space<hbm>> -> memref<640xi32, #tpu.memory_space<hbm>>
      %dma_wait3A_57 = arith.constant 0 : i32
      %dma_wait3A_58 = tpu.memref_slice %arg6[%rem3A_45, %dma_wait3A_51, %dma_wait3A_57] : memref<2x3x640xi32, #tpu.memory_space<vmem>> -> memref<1x1x640xi32, #tpu.memory_space<vmem>>
      %dma_wait3A_59 = tpu.memref_squeeze %dma_wait3A_58 : memref<1x1x640xi32, #tpu.memory_space<vmem>> -> memref<640xi32, #tpu.memory_space<vmem>>
      %dma_wait3A_60 = tpu.memref_slice %arg3[%dma_wait3A, %mul3A_43] : memref<3x800000xi32, #tpu.memory_space<hbm>> -> memref<1x640xi32, #tpu.memory_space<hbm>>
      %dma_wait3A_61 = tpu.memref_squeeze %dma_wait3A_60 : memref<1x640xi32, #tpu.memory_space<hbm>> -> memref<640xi32, #tpu.memory_space<hbm>>
      tpu.wait_dma2 semaphore(%arg10 : memref<!tpu.dma_semaphore, #tpu.memory_space<semaphore_mem>>) src(%dma_wait3A_61 : memref<640xi32, #tpu.memory_space<hbm>>) dst(%dma_wait3A_59 : memref<640xi32, #tpu.memory_space<vmem>>)
      %dma_wait3A_62 = arith.constant 1 : i32
      %dma_wait3A_63 = arith.constant 1 : i32
      %dma_wait3A_64 = arith.constant 0 : i32
      %dma_wait3A_65 = tpu.memref_slice %arg6[%rem3A_45, %dma_wait3A_63, %dma_wait3A_64] : memref<2x3x640xi32, #tpu.memory_space<vmem>> -> memref<1x1x640xi32, #tpu.memory_space<vmem>>
      %dma_wait3A_66 = tpu.memref_squeeze %dma_wait3A_65 : memref<1x1x640xi32, #tpu.memory_space<vmem>> -> memref<640xi32, #tpu.memory_space<vmem>>
      %dma_wait3A_67 = tpu.memref_slice %arg3[%dma_wait3A_62, %mul3A_43] : memref<3x800000xi32, #tpu.memory_space<hbm>> -> memref<1x640xi32, #tpu.memory_space<hbm>>
      %dma_wait3A_68 = tpu.memref_squeeze %dma_wait3A_67 : memref<1x640xi32, #tpu.memory_space<hbm>> -> memref<640xi32, #tpu.memory_space<hbm>>
      %dma_wait3A_69 = arith.constant 0 : i32
      %dma_wait3A_70 = tpu.memref_slice %arg6[%rem3A_45, %dma_wait3A_63, %dma_wait3A_69] : memref<2x3x640xi32, #tpu.memory_space<vmem>> -> memref<1x1x640xi32, #tpu.memory_space<vmem>>
      %dma_wait3A_71 = tpu.memref_squeeze %dma_wait3A_70 : memref<1x1x640xi32, #tpu.memory_space<vmem>> -> memref<640xi32, #tpu.memory_space<vmem>>
      %dma_wait3A_72 = tpu.memref_slice %arg3[%dma_wait3A_62, %mul3A_43] : memref<3x800000xi32, #tpu.memory_space<hbm>> -> memref<1x640xi32, #tpu.memory_space<hbm>>
      %dma_wait3A_73 = tpu.memref_squeeze %dma_wait3A_72 : memref<1x640xi32, #tpu.memory_space<hbm>> -> memref<640xi32, #tpu.memory_space<hbm>>
      tpu.wait_dma2 semaphore(%arg10 : memref<!tpu.dma_semaphore, #tpu.memory_space<semaphore_mem>>) src(%dma_wait3A_73 : memref<640xi32, #tpu.memory_space<hbm>>) dst(%dma_wait3A_71 : memref<640xi32, #tpu.memory_space<vmem>>)
      %dma_wait3A_74 = arith.constant 2 : i32
      %dma_wait3A_75 = arith.constant 2 : i32
      %dma_wait3A_76 = arith.constant 0 : i32
      %dma_wait3A_77 = tpu.memref_slice %arg6[%rem3A_45, %dma_wait3A_75, %dma_wait3A_76] : memref<2x3x640xi32, #tpu.memory_space<vmem>> -> memref<1x1x640xi32, #tpu.memory_space<vmem>>
      %dma_wait3A_78 = tpu.memref_squeeze %dma_wait3A_77 : memref<1x1x640xi32, #tpu.memory_space<vmem>> -> memref<640xi32, #tpu.memory_space<vmem>>
      %dma_wait3A_79 = tpu.memref_slice %arg3[%dma_wait3A_74, %mul3A_43] : memref<3x800000xi32, #tpu.memory_space<hbm>> -> memref<1x640xi32, #tpu.memory_space<hbm>>
      %dma_wait3A_80 = tpu.memref_squeeze %dma_wait3A_79 : memref<1x640xi32, #tpu.memory_space<hbm>> -> memref<640xi32, #tpu.memory_space<hbm>>
      %dma_wait3A_81 = arith.constant 0 : i32
      %dma_wait3A_82 = tpu.memref_slice %arg6[%rem3A_45, %dma_wait3A_75, %dma_wait3A_81] : memref<2x3x640xi32, #tpu.memory_space<vmem>> -> memref<1x1x640xi32, #tpu.memory_space<vmem>>
      %dma_wait3A_83 = tpu.memref_squeeze %dma_wait3A_82 : memref<1x1x640xi32, #tpu.memory_space<vmem>> -> memref<640xi32, #tpu.memory_space<vmem>>
      %dma_wait3A_84 = tpu.memref_slice %arg3[%dma_wait3A_74, %mul3A_43] : memref<3x800000xi32, #tpu.memory_space<hbm>> -> memref<1x640xi32, #tpu.memory_space<hbm>>
      %dma_wait3A_85 = tpu.memref_squeeze %dma_wait3A_84 : memref<1x640xi32, #tpu.memory_space<hbm>> -> memref<640xi32, #tpu.memory_space<hbm>>
      tpu.wait_dma2 semaphore(%arg10 : memref<!tpu.dma_semaphore, #tpu.memory_space<semaphore_mem>>) src(%dma_wait3A_85 : memref<640xi32, #tpu.memory_space<hbm>>) dst(%dma_wait3A_83 : memref<640xi32, #tpu.memory_space<vmem>>)
      %add3A_86 = arith.constant 1 : i32
      %add3A_87 = arith.addi %while3A_38, %add3A_86 : i32
      %lt3A = arith.cmpi slt, %add3A_87, %select_n3A : i32
      %convert_element_type3A_88 = arith.extui %lt3A : i1 to i32
      %cond3A_89 = arith.constant 0 : i32
      %cond3A_90 = arith.cmpi ne, %convert_element_type3A_88, %cond3A_89 : i32
      scf.if %cond3A_90 {
        %add3A_212 = arith.constant 32 : i32
        %add3A_213 = arith.addi %add3A_41, %add3A_212 : i32
        %mul3A_214 = arith.constant 640 : i32
        %mul3A_215 = arith.muli %add3A_213, %mul3A_214 : i32
        %sub3A_216 = arith.constant 1 : i32
        %sub3A_217 = arith.subi %sub3A_216, %rem3A_45 : i32
        %dma_start3A_218 = arith.constant 0 : i32
        %dma_start3A_219 = arith.constant 0 : i32
        %dma_start3A_220 = arith.constant 0 : i32
        %dma_start3A_221 = tpu.memref_slice %arg6[%sub3A_217, %dma_start3A_219, %dma_start3A_220] : memref<2x3x640xi32, #tpu.memory_space<vmem>> -> memref<1x1x640xi32, #tpu.memory_space<vmem>>
        %dma_start3A_222 = tpu.memref_squeeze %dma_start3A_221 : memref<1x1x640xi32, #tpu.memory_space<vmem>> -> memref<640xi32, #tpu.memory_space<vmem>>
        %dma_start3A_223 = tpu.memref_slice %arg3[%dma_start3A_218, %mul3A_215] : memref<3x800000xi32, #tpu.memory_space<hbm>> -> memref<1x640xi32, #tpu.memory_space<hbm>>
        %dma_start3A_224 = tpu.memref_squeeze %dma_start3A_223 : memref<1x640xi32, #tpu.memory_space<hbm>> -> memref<640xi32, #tpu.memory_space<hbm>>
        %dma_start3A_225 = arith.constant 0 : i32
        %dma_start3A_226 = tpu.memref_slice %arg6[%sub3A_217, %dma_start3A_219, %dma_start3A_225] : memref<2x3x640xi32, #tpu.memory_space<vmem>> -> memref<1x1x640xi32, #tpu.memory_space<vmem>>
        %dma_start3A_227 = tpu.memref_squeeze %dma_start3A_226 : memref<1x1x640xi32, #tpu.memory_space<vmem>> -> memref<640xi32, #tpu.memory_space<vmem>>
        %dma_start3A_228 = tpu.memref_slice %arg3[%dma_start3A_218, %mul3A_215] : memref<3x800000xi32, #tpu.memory_space<hbm>> -> memref<1x640xi32, #tpu.memory_space<hbm>>
        %dma_start3A_229 = tpu.memref_squeeze %dma_start3A_228 : memref<1x640xi32, #tpu.memory_space<hbm>> -> memref<640xi32, #tpu.memory_space<hbm>>
        tpu.enqueue_dma source(%dma_start3A_229 : memref<640xi32, #tpu.memory_space<hbm>>) target(%dma_start3A_227 : memref<640xi32, #tpu.memory_space<vmem>>) target_semaphore(%arg10 : memref<!tpu.dma_semaphore, #tpu.memory_space<semaphore_mem>>)
        %sub3A_230 = arith.constant 1 : i32
        %sub3A_231 = arith.subi %sub3A_230, %rem3A_45 : i32
        %dma_start3A_232 = arith.constant 1 : i32
        %dma_start3A_233 = arith.constant 1 : i32
        %dma_start3A_234 = arith.constant 0 : i32
        %dma_start3A_235 = tpu.memref_slice %arg6[%sub3A_231, %dma_start3A_233, %dma_start3A_234] : memref<2x3x640xi32, #tpu.memory_space<vmem>> -> memref<1x1x640xi32, #tpu.memory_space<vmem>>
        %dma_start3A_236 = tpu.memref_squeeze %dma_start3A_235 : memref<1x1x640xi32, #tpu.memory_space<vmem>> -> memref<640xi32, #tpu.memory_space<vmem>>
        %dma_start3A_237 = tpu.memref_slice %arg3[%dma_start3A_232, %mul3A_215] : memref<3x800000xi32, #tpu.memory_space<hbm>> -> memref<1x640xi32, #tpu.memory_space<hbm>>
        %dma_start3A_238 = tpu.memref_squeeze %dma_start3A_237 : memref<1x640xi32, #tpu.memory_space<hbm>> -> memref<640xi32, #tpu.memory_space<hbm>>
        %dma_start3A_239 = arith.constant 0 : i32
        %dma_start3A_240 = tpu.memref_slice %arg6[%sub3A_231, %dma_start3A_233, %dma_start3A_239] : memref<2x3x640xi32, #tpu.memory_space<vmem>> -> memref<1x1x640xi32, #tpu.memory_space<vmem>>
        %dma_start3A_241 = tpu.memref_squeeze %dma_start3A_240 : memref<1x1x640xi32, #tpu.memory_space<vmem>> -> memref<640xi32, #tpu.memory_space<vmem>>
        %dma_start3A_242 = tpu.memref_slice %arg3[%dma_start3A_232, %mul3A_215] : memref<3x800000xi32, #tpu.memory_space<hbm>> -> memref<1x640xi32, #tpu.memory_space<hbm>>
        %dma_start3A_243 = tpu.memref_squeeze %dma_start3A_242 : memref<1x640xi32, #tpu.memory_space<hbm>> -> memref<640xi32, #tpu.memory_space<hbm>>
        tpu.enqueue_dma source(%dma_start3A_243 : memref<640xi32, #tpu.memory_space<hbm>>) target(%dma_start3A_241 : memref<640xi32, #tpu.memory_space<vmem>>) target_semaphore(%arg10 : memref<!tpu.dma_semaphore, #tpu.memory_space<semaphore_mem>>)
        %sub3A_244 = arith.constant 1 : i32
        %sub3A_245 = arith.subi %sub3A_244, %rem3A_45 : i32
        %dma_start3A_246 = arith.constant 2 : i32
        %dma_start3A_247 = arith.constant 2 : i32
        %dma_start3A_248 = arith.constant 0 : i32
        %dma_start3A_249 = tpu.memref_slice %arg6[%sub3A_245, %dma_start3A_247, %dma_start3A_248] : memref<2x3x640xi32, #tpu.memory_space<vmem>> -> memref<1x1x640xi32, #tpu.memory_space<vmem>>
        %dma_start3A_250 = tpu.memref_squeeze %dma_start3A_249 : memref<1x1x640xi32, #tpu.memory_space<vmem>> -> memref<640xi32, #tpu.memory_space<vmem>>
        %dma_start3A_251 = tpu.memref_slice %arg3[%dma_start3A_246, %mul3A_215] : memref<3x800000xi32, #tpu.memory_space<hbm>> -> memref<1x640xi32, #tpu.memory_space<hbm>>
        %dma_start3A_252 = tpu.memref_squeeze %dma_start3A_251 : memref<1x640xi32, #tpu.memory_space<hbm>> -> memref<640xi32, #tpu.memory_space<hbm>>
        %dma_start3A_253 = arith.constant 0 : i32
        %dma_start3A_254 = tpu.memref_slice %arg6[%sub3A_245, %dma_start3A_247, %dma_start3A_253] : memref<2x3x640xi32, #tpu.memory_space<vmem>> -> memref<1x1x640xi32, #tpu.memory_space<vmem>>
        %dma_start3A_255 = tpu.memref_squeeze %dma_start3A_254 : memref<1x1x640xi32, #tpu.memory_space<vmem>> -> memref<640xi32, #tpu.memory_space<vmem>>
        %dma_start3A_256 = tpu.memref_slice %arg3[%dma_start3A_246, %mul3A_215] : memref<3x800000xi32, #tpu.memory_space<hbm>> -> memref<1x640xi32, #tpu.memory_space<hbm>>
        %dma_start3A_257 = tpu.memref_squeeze %dma_start3A_256 : memref<1x640xi32, #tpu.memory_space<hbm>> -> memref<640xi32, #tpu.memory_space<hbm>>
        tpu.enqueue_dma source(%dma_start3A_257 : memref<640xi32, #tpu.memory_space<hbm>>) target(%dma_start3A_255 : memref<640xi32, #tpu.memory_space<vmem>>) target_semaphore(%arg10 : memref<!tpu.dma_semaphore, #tpu.memory_space<semaphore_mem>>)
      } else {
      }
      %scan3A = arith.constant 0 : i32
      %scan3A_91 = arith.constant 0 : i32
      %scan3A_92 = arith.constant 40 : i32
      %scan3A_93 = arith.addi %scan3A_91, %scan3A_92 : i32
      %scan3A_94 = arith.constant 8 : i32
      scf.for %scan3A_212 = %scan3A_91 to %scan3A_93 step %scan3A_94  : i32 {
        %mul3A_213 = arith.constant 16 : i32
        %mul3A_214 = arith.muli %scan3A_212, %mul3A_213 : i32
        %get3A = arith.constant 0 : i32
        %get3A_215 = arith.index_cast %rem3A_45 : i32 to index
        %get3A_216 = arith.index_cast %get3A : i32 to index
        %get3A_217 = arith.index_cast %mul3A_214 : i32 to index
        %get3A_218 = tpu.vector_load %arg6[%get3A_215, %get3A_216, %get3A_217] {strides = array<i32>} : memref<2x3x640xi32, #tpu.memory_space<vmem>>, vector<1x1x16xi32>,
        %get3A_219 = vector.shape_cast %get3A_218 : vector<1x1x16xi32> to vector<16xi32>
        %get3A_220 = arith.constant 1 : i32
        %get3A_221 = arith.index_cast %rem3A_45 : i32 to index
        %get3A_222 = arith.index_cast %get3A_220 : i32 to index
        %get3A_223 = arith.index_cast %mul3A_214 : i32 to index
        %get3A_224 = tpu.vector_load %arg6[%get3A_221, %get3A_222, %get3A_223] {strides = array<i32>} : memref<2x3x640xi32, #tpu.memory_space<vmem>>, vector<1x1x16xi32>,
        %get3A_225 = vector.shape_cast %get3A_224 : vector<1x1x16xi32> to vector<16xi32>
        %get3A_226 = arith.constant 2 : i32
        %get3A_227 = arith.index_cast %rem3A_45 : i32 to index
        %get3A_228 = arith.index_cast %get3A_226 : i32 to index
        %get3A_229 = arith.index_cast %mul3A_214 : i32 to index
        %get3A_230 = tpu.vector_load %arg6[%get3A_227, %get3A_228, %get3A_229] {strides = array<i32>} : memref<2x3x640xi32, #tpu.memory_space<vmem>>, vector<1x1x16xi32>,
        %get3A_231 = vector.shape_cast %get3A_230 : vector<1x1x16xi32> to vector<16xi32>
        %mul3A_232 = arith.constant 16 : i32
        %mul3A_233 = vector.broadcast %mul3A_232 : i32 to vector<16xi32>
        %mul3A_234 = arith.muli %get3A_219, %mul3A_233 : vector<16xi32>
        %mul3A_235 = arith.constant 2 : i32
        %mul3A_236 = vector.broadcast %mul3A_235 : i32 to vector<16xi32>
        %mul3A_237 = arith.muli %get3A_225, %mul3A_236 : vector<16xi32>
        %add3A_238 = arith.addi %mul3A_234, %mul3A_237 : vector<16xi32>
        %add3A_239 = arith.addi %add3A_238, %get3A_231 : vector<16xi32>
        %swap3A = arith.index_cast %rem3A_45 : i32 to index
        %swap3A_240 = arith.index_cast %mul3A_214 : i32 to index
        %swap3A_241 = tpu.vector_load %arg7[%swap3A, %swap3A_240] {strides = array<i32>} : memref<2x640xi32, #tpu.memory_space<vmem>>, vector<1x16xi32>,
        %swap3A_242 = vector.shape_cast %swap3A_241 : vector<1x16xi32> to vector<16xi32>
        %swap3A_243 = vector.shape_cast %add3A_239 : vector<16xi32> to vector<1x16xi32>
        tpu.vector_store %arg7[%swap3A, %swap3A_240], %swap3A_243 {strides = array<i32>} : memref<2x640xi32, #tpu.memory_space<vmem>>, vector<1x16xi32>,
        %scan3A_244 = arith.constant 1 : i32
        %scan3A_245 = arith.addi %scan3A_212, %scan3A_244 : i32
        %mul3A_246 = arith.constant 16 : i32
        %mul3A_247 = arith.muli %scan3A_245, %mul3A_246 : i32
        %get3A_248 = arith.constant 0 : i32
        %get3A_249 = arith.index_cast %rem3A_45 : i32 to index
        %get3A_250 = arith.index_cast %get3A_248 : i32 to index
        %get3A_251 = arith.index_cast %mul3A_247 : i32 to index
        %get3A_252 = tpu.vector_load %arg6[%get3A_249, %get3A_250, %get3A_251] {strides = array<i32>} : memref<2x3x640xi32, #tpu.memory_space<vmem>>, vector<1x1x16xi32>,
        %get3A_253 = vector.shape_cast %get3A_252 : vector<1x1x16xi32> to vector<16xi32>
        %get3A_254 = arith.constant 1 : i32
        %get3A_255 = arith.index_cast %rem3A_45 : i32 to index
        %get3A_256 = arith.index_cast %get3A_254 : i32 to index
        %get3A_257 = arith.index_cast %mul3A_247 : i32 to index
        %get3A_258 = tpu.vector_load %arg6[%get3A_255, %get3A_256, %get3A_257] {strides = array<i32>} : memref<2x3x640xi32, #tpu.memory_space<vmem>>, vector<1x1x16xi32>,
        %get3A_259 = vector.shape_cast %get3A_258 : vector<1x1x16xi32> to vector<16xi32>
        %get3A_260 = arith.constant 2 : i32
        %get3A_261 = arith.index_cast %rem3A_45 : i32 to index
        %get3A_262 = arith.index_cast %get3A_260 : i32 to index
        %get3A_263 = arith.index_cast %mul3A_247 : i32 to index
        %get3A_264 = tpu.vector_load %arg6[%get3A_261, %get3A_262, %get3A_263] {strides = array<i32>} : memref<2x3x640xi32, #tpu.memory_space<vmem>>, vector<1x1x16xi32>,
        %get3A_265 = vector.shape_cast %get3A_264 : vector<1x1x16xi32> to vector<16xi32>
        %mul3A_266 = arith.constant 16 : i32
        %mul3A_267 = vector.broadcast %mul3A_266 : i32 to vector<16xi32>
        %mul3A_268 = arith.muli %get3A_253, %mul3A_267 : vector<16xi32>
        %mul3A_269 = arith.constant 2 : i32
        %mul3A_270 = vector.broadcast %mul3A_269 : i32 to vector<16xi32>
        %mul3A_271 = arith.muli %get3A_259, %mul3A_270 : vector<16xi32>
        %add3A_272 = arith.addi %mul3A_268, %mul3A_271 : vector<16xi32>
        %add3A_273 = arith.addi %add3A_272, %get3A_265 : vector<16xi32>
        %swap3A_274 = arith.index_cast %rem3A_45 : i32 to index
        %swap3A_275 = arith.index_cast %mul3A_247 : i32 to index
        %swap3A_276 = tpu.vector_load %arg7[%swap3A_274, %swap3A_275] {strides = array<i32>} : memref<2x640xi32, #tpu.memory_space<vmem>>, vector<1x16xi32>,
        %swap3A_277 = vector.shape_cast %swap3A_276 : vector<1x16xi32> to vector<16xi32>
        %swap3A_278 = vector.shape_cast %add3A_273 : vector<16xi32> to vector<1x16xi32>
        tpu.vector_store %arg7[%swap3A_274, %swap3A_275], %swap3A_278 {strides = array<i32>} : memref<2x640xi32, #tpu.memory_space<vmem>>, vector<1x16xi32>,
        %scan3A_279 = arith.constant 2 : i32
        %scan3A_280 = arith.addi %scan3A_212, %scan3A_279 : i32
        %mul3A_281 = arith.constant 16 : i32
        %mul3A_282 = arith.muli %scan3A_280, %mul3A_281 : i32
        %get3A_283 = arith.constant 0 : i32
        %get3A_284 = arith.index_cast %rem3A_45 : i32 to index
        %get3A_285 = arith.index_cast %get3A_283 : i32 to index
        %get3A_286 = arith.index_cast %mul3A_282 : i32 to index
        %get3A_287 = tpu.vector_load %arg6[%get3A_284, %get3A_285, %get3A_286] {strides = array<i32>} : memref<2x3x640xi32, #tpu.memory_space<vmem>>, vector<1x1x16xi32>,
        %get3A_288 = vector.shape_cast %get3A_287 : vector<1x1x16xi32> to vector<16xi32>
        %get3A_289 = arith.constant 1 : i32
        %get3A_290 = arith.index_cast %rem3A_45 : i32 to index
        %get3A_291 = arith.index_cast %get3A_289 : i32 to index
        %get3A_292 = arith.index_cast %mul3A_282 : i32 to index
        %get3A_293 = tpu.vector_load %arg6[%get3A_290, %get3A_291, %get3A_292] {strides = array<i32>} : memref<2x3x640xi32, #tpu.memory_space<vmem>>, vector<1x1x16xi32>,
        %get3A_294 = vector.shape_cast %get3A_293 : vector<1x1x16xi32> to vector<16xi32>
        %get3A_295 = arith.constant 2 : i32
        %get3A_296 = arith.index_cast %rem3A_45 : i32 to index
        %get3A_297 = arith.index_cast %get3A_295 : i32 to index
        %get3A_298 = arith.index_cast %mul3A_282 : i32 to index
        %get3A_299 = tpu.vector_load %arg6[%get3A_296, %get3A_297, %get3A_298] {strides = array<i32>} : memref<2x3x640xi32, #tpu.memory_space<vmem>>, vector<1x1x16xi32>,
        %get3A_300 = vector.shape_cast %get3A_299 : vector<1x1x16xi32> to vector<16xi32>
        %mul3A_301 = arith.constant 16 : i32
        %mul3A_302 = vector.broadcast %mul3A_301 : i32 to vector<16xi32>
        %mul3A_303 = arith.muli %get3A_288, %mul3A_302 : vector<16xi32>
        %mul3A_304 = arith.constant 2 : i32
        %mul3A_305 = vector.broadcast %mul3A_304 : i32 to vector<16xi32>
        %mul3A_306 = arith.muli %get3A_294, %mul3A_305 : vector<16xi32>
        %add3A_307 = arith.addi %mul3A_303, %mul3A_306 : vector<16xi32>
        %add3A_308 = arith.addi %add3A_307, %get3A_300 : vector<16xi32>
        %swap3A_309 = arith.index_cast %rem3A_45 : i32 to index
        %swap3A_310 = arith.index_cast %mul3A_282 : i32 to index
        %swap3A_311 = tpu.vector_load %arg7[%swap3A_309, %swap3A_310] {strides = array<i32>} : memref<2x640xi32, #tpu.memory_space<vmem>>, vector<1x16xi32>,
        %swap3A_312 = vector.shape_cast %swap3A_311 : vector<1x16xi32> to vector<16xi32>
        %swap3A_313 = vector.shape_cast %add3A_308 : vector<16xi32> to vector<1x16xi32>
        tpu.vector_store %arg7[%swap3A_309, %swap3A_310], %swap3A_313 {strides = array<i32>} : memref<2x640xi32, #tpu.memory_space<vmem>>, vector<1x16xi32>,
        %scan3A_314 = arith.constant 3 : i32
        %scan3A_315 = arith.addi %scan3A_212, %scan3A_314 : i32
        %mul3A_316 = arith.constant 16 : i32
        %mul3A_317 = arith.muli %scan3A_315, %mul3A_316 : i32
        %get3A_318 = arith.constant 0 : i32
        %get3A_319 = arith.index_cast %rem3A_45 : i32 to index
        %get3A_320 = arith.index_cast %get3A_318 : i32 to index
        %get3A_321 = arith.index_cast %mul3A_317 : i32 to index
        %get3A_322 = tpu.vector_load %arg6[%get3A_319, %get3A_320, %get3A_321] {strides = array<i32>} : memref<2x3x640xi32, #tpu.memory_space<vmem>>, vector<1x1x16xi32>,
        %get3A_323 = vector.shape_cast %get3A_322 : vector<1x1x16xi32> to vector<16xi32>
        %get3A_324 = arith.constant 1 : i32
        %get3A_325 = arith.index_cast %rem3A_45 : i32 to index
        %get3A_326 = arith.index_cast %get3A_324 : i32 to index
        %get3A_327 = arith.index_cast %mul3A_317 : i32 to index
        %get3A_328 = tpu.vector_load %arg6[%get3A_325, %get3A_326, %get3A_327] {strides = array<i32>} : memref<2x3x640xi32, #tpu.memory_space<vmem>>, vector<1x1x16xi32>,
        %get3A_329 = vector.shape_cast %get3A_328 : vector<1x1x16xi32> to vector<16xi32>
        %get3A_330 = arith.constant 2 : i32
        %get3A_331 = arith.index_cast %rem3A_45 : i32 to index
        %get3A_332 = arith.index_cast %get3A_330 : i32 to index
        %get3A_333 = arith.index_cast %mul3A_317 : i32 to index
        %get3A_334 = tpu.vector_load %arg6[%get3A_331, %get3A_332, %get3A_333] {strides = array<i32>} : memref<2x3x640xi32, #tpu.memory_space<vmem>>, vector<1x1x16xi32>,
        %get3A_335 = vector.shape_cast %get3A_334 : vector<1x1x16xi32> to vector<16xi32>
        %mul3A_336 = arith.constant 16 : i32
        %mul3A_337 = vector.broadcast %mul3A_336 : i32 to vector<16xi32>
        %mul3A_338 = arith.muli %get3A_323, %mul3A_337 : vector<16xi32>
        %mul3A_339 = arith.constant 2 : i32
        %mul3A_340 = vector.broadcast %mul3A_339 : i32 to vector<16xi32>
        %mul3A_341 = arith.muli %get3A_329, %mul3A_340 : vector<16xi32>
        %add3A_342 = arith.addi %mul3A_338, %mul3A_341 : vector<16xi32>
        %add3A_343 = arith.addi %add3A_342, %get3A_335 : vector<16xi32>
        %swap3A_344 = arith.index_cast %rem3A_45 : i32 to index
        %swap3A_345 = arith.index_cast %mul3A_317 : i32 to index
        %swap3A_346 = tpu.vector_load %arg7[%swap3A_344, %swap3A_345] {strides = array<i32>} : memref<2x640xi32, #tpu.memory_space<vmem>>, vector<1x16xi32>,
        %swap3A_347 = vector.shape_cast %swap3A_346 : vector<1x16xi32> to vector<16xi32>
        %swap3A_348 = vector.shape_cast %add3A_343 : vector<16xi32> to vector<1x16xi32>
        tpu.vector_store %arg7[%swap3A_344, %swap3A_345], %swap3A_348 {strides = array<i32>} : memref<2x640xi32, #tpu.memory_space<vmem>>, vector<1x16xi32>,
        %scan3A_349 = arith.constant 4 : i32
        %scan3A_350 = arith.addi %scan3A_212, %scan3A_349 : i32
        %mul3A_351 = arith.constant 16 : i32
        %mul3A_352 = arith.muli %scan3A_350, %mul3A_351 : i32
        %get3A_353 = arith.constant 0 : i32
        %get3A_354 = arith.index_cast %rem3A_45 : i32 to index
        %get3A_355 = arith.index_cast %get3A_353 : i32 to index
        %get3A_356 = arith.index_cast %mul3A_352 : i32 to index
        %get3A_357 = tpu.vector_load %arg6[%get3A_354, %get3A_355, %get3A_356] {strides = array<i32>} : memref<2x3x640xi32, #tpu.memory_space<vmem>>, vector<1x1x16xi32>,
        %get3A_358 = vector.shape_cast %get3A_357 : vector<1x1x16xi32> to vector<16xi32>
        %get3A_359 = arith.constant 1 : i32
        %get3A_360 = arith.index_cast %rem3A_45 : i32 to index
        %get3A_361 = arith.index_cast %get3A_359 : i32 to index
        %get3A_362 = arith.index_cast %mul3A_352 : i32 to index
        %get3A_363 = tpu.vector_load %arg6[%get3A_360, %get3A_361, %get3A_362] {strides = array<i32>} : memref<2x3x640xi32, #tpu.memory_space<vmem>>, vector<1x1x16xi32>,
        %get3A_364 = vector.shape_cast %get3A_363 : vector<1x1x16xi32> to vector<16xi32>
        %get3A_365 = arith.constant 2 : i32
        %get3A_366 = arith.index_cast %rem3A_45 : i32 to index
        %get3A_367 = arith.index_cast %get3A_365 : i32 to index
        %get3A_368 = arith.index_cast %mul3A_352 : i32 to index
        %get3A_369 = tpu.vector_load %arg6[%get3A_366, %get3A_367, %get3A_368] {strides = array<i32>} : memref<2x3x640xi32, #tpu.memory_space<vmem>>, vector<1x1x16xi32>,
        %get3A_370 = vector.shape_cast %get3A_369 : vector<1x1x16xi32> to vector<16xi32>
        %mul3A_371 = arith.constant 16 : i32
        %mul3A_372 = vector.broadcast %mul3A_371 : i32 to vector<16xi32>
        %mul3A_373 = arith.muli %get3A_358, %mul3A_372 : vector<16xi32>
        %mul3A_374 = arith.constant 2 : i32
        %mul3A_375 = vector.broadcast %mul3A_374 : i32 to vector<16xi32>
        %mul3A_376 = arith.muli %get3A_364, %mul3A_375 : vector<16xi32>
        %add3A_377 = arith.addi %mul3A_373, %mul3A_376 : vector<16xi32>
        %add3A_378 = arith.addi %add3A_377, %get3A_370 : vector<16xi32>
        %swap3A_379 = arith.index_cast %rem3A_45 : i32 to index
        %swap3A_380 = arith.index_cast %mul3A_352 : i32 to index
        %swap3A_381 = tpu.vector_load %arg7[%swap3A_379, %swap3A_380] {strides = array<i32>} : memref<2x640xi32, #tpu.memory_space<vmem>>, vector<1x16xi32>,
        %swap3A_382 = vector.shape_cast %swap3A_381 : vector<1x16xi32> to vector<16xi32>
        %swap3A_383 = vector.shape_cast %add3A_378 : vector<16xi32> to vector<1x16xi32>
        tpu.vector_store %arg7[%swap3A_379, %swap3A_380], %swap3A_383 {strides = array<i32>} : memref<2x640xi32, #tpu.memory_space<vmem>>, vector<1x16xi32>,
        %scan3A_384 = arith.constant 5 : i32
        %scan3A_385 = arith.addi %scan3A_212, %scan3A_384 : i32
        %mul3A_386 = arith.constant 16 : i32
        %mul3A_387 = arith.muli %scan3A_385, %mul3A_386 : i32
        %get3A_388 = arith.constant 0 : i32
        %get3A_389 = arith.index_cast %rem3A_45 : i32 to index
        %get3A_390 = arith.index_cast %get3A_388 : i32 to index
        %get3A_391 = arith.index_cast %mul3A_387 : i32 to index
        %get3A_392 = tpu.vector_load %arg6[%get3A_389, %get3A_390, %get3A_391] {strides = array<i32>} : memref<2x3x640xi32, #tpu.memory_space<vmem>>, vector<1x1x16xi32>,
        %get3A_393 = vector.shape_cast %get3A_392 : vector<1x1x16xi32> to vector<16xi32>
        %get3A_394 = arith.constant 1 : i32
        %get3A_395 = arith.index_cast %rem3A_45 : i32 to index
        %get3A_396 = arith.index_cast %get3A_394 : i32 to index
        %get3A_397 = arith.index_cast %mul3A_387 : i32 to index
        %get3A_398 = tpu.vector_load %arg6[%get3A_395, %get3A_396, %get3A_397] {strides = array<i32>} : memref<2x3x640xi32, #tpu.memory_space<vmem>>, vector<1x1x16xi32>,
        %get3A_399 = vector.shape_cast %get3A_398 : vector<1x1x16xi32> to vector<16xi32>
        %get3A_400 = arith.constant 2 : i32
        %get3A_401 = arith.index_cast %rem3A_45 : i32 to index
        %get3A_402 = arith.index_cast %get3A_400 : i32 to index
        %get3A_403 = arith.index_cast %mul3A_387 : i32 to index
        %get3A_404 = tpu.vector_load %arg6[%get3A_401, %get3A_402, %get3A_403] {strides = array<i32>} : memref<2x3x640xi32, #tpu.memory_space<vmem>>, vector<1x1x16xi32>,
        %get3A_405 = vector.shape_cast %get3A_404 : vector<1x1x16xi32> to vector<16xi32>
        %mul3A_406 = arith.constant 16 : i32
        %mul3A_407 = vector.broadcast %mul3A_406 : i32 to vector<16xi32>
        %mul3A_408 = arith.muli %get3A_393, %mul3A_407 : vector<16xi32>
        %mul3A_409 = arith.constant 2 : i32
        %mul3A_410 = vector.broadcast %mul3A_409 : i32 to vector<16xi32>
        %mul3A_411 = arith.muli %get3A_399, %mul3A_410 : vector<16xi32>
        %add3A_412 = arith.addi %mul3A_408, %mul3A_411 : vector<16xi32>
        %add3A_413 = arith.addi %add3A_412, %get3A_405 : vector<16xi32>
        %swap3A_414 = arith.index_cast %rem3A_45 : i32 to index
        %swap3A_415 = arith.index_cast %mul3A_387 : i32 to index
        %swap3A_416 = tpu.vector_load %arg7[%swap3A_414, %swap3A_415] {strides = array<i32>} : memref<2x640xi32, #tpu.memory_space<vmem>>, vector<1x16xi32>,
        %swap3A_417 = vector.shape_cast %swap3A_416 : vector<1x16xi32> to vector<16xi32>
        %swap3A_418 = vector.shape_cast %add3A_413 : vector<16xi32> to vector<1x16xi32>
        tpu.vector_store %arg7[%swap3A_414, %swap3A_415], %swap3A_418 {strides = array<i32>} : memref<2x640xi32, #tpu.memory_space<vmem>>, vector<1x16xi32>,
        %scan3A_419 = arith.constant 6 : i32
        %scan3A_420 = arith.addi %scan3A_212, %scan3A_419 : i32
        %mul3A_421 = arith.constant 16 : i32
        %mul3A_422 = arith.muli %scan3A_420, %mul3A_421 : i32
        %get3A_423 = arith.constant 0 : i32
        %get3A_424 = arith.index_cast %rem3A_45 : i32 to index
        %get3A_425 = arith.index_cast %get3A_423 : i32 to index
        %get3A_426 = arith.index_cast %mul3A_422 : i32 to index
        %get3A_427 = tpu.vector_load %arg6[%get3A_424, %get3A_425, %get3A_426] {strides = array<i32>} : memref<2x3x640xi32, #tpu.memory_space<vmem>>, vector<1x1x16xi32>,
        %get3A_428 = vector.shape_cast %get3A_427 : vector<1x1x16xi32> to vector<16xi32>
        %get3A_429 = arith.constant 1 : i32
        %get3A_430 = arith.index_cast %rem3A_45 : i32 to index
        %get3A_431 = arith.index_cast %get3A_429 : i32 to index
        %get3A_432 = arith.index_cast %mul3A_422 : i32 to index
        %get3A_433 = tpu.vector_load %arg6[%get3A_430, %get3A_431, %get3A_432] {strides = array<i32>} : memref<2x3x640xi32, #tpu.memory_space<vmem>>, vector<1x1x16xi32>,
        %get3A_434 = vector.shape_cast %get3A_433 : vector<1x1x16xi32> to vector<16xi32>
        %get3A_435 = arith.constant 2 : i32
        %get3A_436 = arith.index_cast %rem3A_45 : i32 to index
        %get3A_437 = arith.index_cast %get3A_435 : i32 to index
        %get3A_438 = arith.index_cast %mul3A_422 : i32 to index
        %get3A_439 = tpu.vector_load %arg6[%get3A_436, %get3A_437, %get3A_438] {strides = array<i32>} : memref<2x3x640xi32, #tpu.memory_space<vmem>>, vector<1x1x16xi32>,
        %get3A_440 = vector.shape_cast %get3A_439 : vector<1x1x16xi32> to vector<16xi32>
        %mul3A_441 = arith.constant 16 : i32
        %mul3A_442 = vector.broadcast %mul3A_441 : i32 to vector<16xi32>
        %mul3A_443 = arith.muli %get3A_428, %mul3A_442 : vector<16xi32>
        %mul3A_444 = arith.constant 2 : i32
        %mul3A_445 = vector.broadcast %mul3A_444 : i32 to vector<16xi32>
        %mul3A_446 = arith.muli %get3A_434, %mul3A_445 : vector<16xi32>
        %add3A_447 = arith.addi %mul3A_443, %mul3A_446 : vector<16xi32>
        %add3A_448 = arith.addi %add3A_447, %get3A_440 : vector<16xi32>
        %swap3A_449 = arith.index_cast %rem3A_45 : i32 to index
        %swap3A_450 = arith.index_cast %mul3A_422 : i32 to index
        %swap3A_451 = tpu.vector_load %arg7[%swap3A_449, %swap3A_450] {strides = array<i32>} : memref<2x640xi32, #tpu.memory_space<vmem>>, vector<1x16xi32>,
        %swap3A_452 = vector.shape_cast %swap3A_451 : vector<1x16xi32> to vector<16xi32>
        %swap3A_453 = vector.shape_cast %add3A_448 : vector<16xi32> to vector<1x16xi32>
        tpu.vector_store %arg7[%swap3A_449, %swap3A_450], %swap3A_453 {strides = array<i32>} : memref<2x640xi32, #tpu.memory_space<vmem>>, vector<1x16xi32>,
        %scan3A_454 = arith.constant 7 : i32
        %scan3A_455 = arith.addi %scan3A_212, %scan3A_454 : i32
        %mul3A_456 = arith.constant 16 : i32
        %mul3A_457 = arith.muli %scan3A_455, %mul3A_456 : i32
        %get3A_458 = arith.constant 0 : i32
        %get3A_459 = arith.index_cast %rem3A_45 : i32 to index
        %get3A_460 = arith.index_cast %get3A_458 : i32 to index
        %get3A_461 = arith.index_cast %mul3A_457 : i32 to index
        %get3A_462 = tpu.vector_load %arg6[%get3A_459, %get3A_460, %get3A_461] {strides = array<i32>} : memref<2x3x640xi32, #tpu.memory_space<vmem>>, vector<1x1x16xi32>,
        %get3A_463 = vector.shape_cast %get3A_462 : vector<1x1x16xi32> to vector<16xi32>
        %get3A_464 = arith.constant 1 : i32
        %get3A_465 = arith.index_cast %rem3A_45 : i32 to index
        %get3A_466 = arith.index_cast %get3A_464 : i32 to index
        %get3A_467 = arith.index_cast %mul3A_457 : i32 to index
        %get3A_468 = tpu.vector_load %arg6[%get3A_465, %get3A_466, %get3A_467] {strides = array<i32>} : memref<2x3x640xi32, #tpu.memory_space<vmem>>, vector<1x1x16xi32>,
        %get3A_469 = vector.shape_cast %get3A_468 : vector<1x1x16xi32> to vector<16xi32>
        %get3A_470 = arith.constant 2 : i32
        %get3A_471 = arith.index_cast %rem3A_45 : i32 to index
        %get3A_472 = arith.index_cast %get3A_470 : i32 to index
        %get3A_473 = arith.index_cast %mul3A_457 : i32 to index
        %get3A_474 = tpu.vector_load %arg6[%get3A_471, %get3A_472, %get3A_473] {strides = array<i32>} : memref<2x3x640xi32, #tpu.memory_space<vmem>>, vector<1x1x16xi32>,
        %get3A_475 = vector.shape_cast %get3A_474 : vector<1x1x16xi32> to vector<16xi32>
        %mul3A_476 = arith.constant 16 : i32
        %mul3A_477 = vector.broadcast %mul3A_476 : i32 to vector<16xi32>
        %mul3A_478 = arith.muli %get3A_463, %mul3A_477 : vector<16xi32>
        %mul3A_479 = arith.constant 2 : i32
        %mul3A_480 = vector.broadcast %mul3A_479 : i32 to vector<16xi32>
        %mul3A_481 = arith.muli %get3A_469, %mul3A_480 : vector<16xi32>
        %add3A_482 = arith.addi %mul3A_478, %mul3A_481 : vector<16xi32>
        %add3A_483 = arith.addi %add3A_482, %get3A_475 : vector<16xi32>
        %swap3A_484 = arith.index_cast %rem3A_45 : i32 to index
        %swap3A_485 = arith.index_cast %mul3A_457 : i32 to index
        %swap3A_486 = tpu.vector_load %arg7[%swap3A_484, %swap3A_485] {strides = array<i32>} : memref<2x640xi32, #tpu.memory_space<vmem>>, vector<1x16xi32>,
        %swap3A_487 = vector.shape_cast %swap3A_486 : vector<1x16xi32> to vector<16xi32>
        %swap3A_488 = vector.shape_cast %add3A_483 : vector<16xi32> to vector<1x16xi32>
        tpu.vector_store %arg7[%swap3A_484, %swap3A_485], %swap3A_488 {strides = array<i32>} : memref<2x640xi32, #tpu.memory_space<vmem>>, vector<1x16xi32>,
      }
      %scan3A_95 = arith.constant 40 : i32
      %dma_start3A = arith.constant 0 : i32
      %dma_start3A_96 = arith.constant 0 : i32
      %dma_start3A_97 = tpu.memref_slice %arg8[%rem3A_45, %dma_start3A, %dma_start3A_96] : memref<2x640x64xf32, #tpu.memory_space<vmem>> -> memref<1x128x64xf32, #tpu.memory_space<vmem>>
      %dma_start3A_98 = tpu.memref_squeeze %dma_start3A_97 : memref<1x128x64xf32, #tpu.memory_space<vmem>> -> memref<128x64xf32, #tpu.memory_space<vmem>>
      %dma_start3A_99 = arith.constant 0 : i32
      %dma_start3A_100 = tpu.memref_slice %arg7[%rem3A_45, %dma_start3A_99] : memref<2x640xi32, #tpu.memory_space<vmem>> -> memref<1x128xi32, #tpu.memory_space<vmem>>
      %dma_start3A_101 = tpu.memref_squeeze %dma_start3A_100 : memref<1x128xi32, #tpu.memory_space<vmem>> -> memref<128xi32, #tpu.memory_space<vmem>>
      %dma_start3A_102 = arith.constant 0 : i32
      %dma_start3A_103 = arith.constant 0 : i32
      %dma_start3A_104 = tpu.memref_slice %arg5[%dma_start3A_102, %dma_start3A_103] : memref<512x64xf32, #tpu.memory_space<vmem_shared>> -> memref<512x64xf32, #tpu.memory_space<vmem_shared>>
      tpu.enqueue_indirect_dma source(%dma_start3A_104 : memref<512x64xf32, #tpu.memory_space<vmem_shared>>) target(%dma_start3A_98 : memref<128x64xf32, #tpu.memory_space<vmem>>) offsets(%dma_start3A_101 : memref<128xi32, #tpu.memory_space<vmem>>) semaphore(%arg11 : memref<!tpu.dma_semaphore, #tpu.memory_space<semaphore_mem>>)
      %dma_start3A_105 = arith.constant 128 : i32
      %dma_start3A_106 = arith.constant 0 : i32
      %dma_start3A_107 = tpu.memref_slice %arg8[%rem3A_45, %dma_start3A_105, %dma_start3A_106] : memref<2x640x64xf32, #tpu.memory_space<vmem>> -> memref<1x128x64xf32, #tpu.memory_space<vmem>>
      %dma_start3A_108 = tpu.memref_squeeze %dma_start3A_107 : memref<1x128x64xf32, #tpu.memory_space<vmem>> -> memref<128x64xf32, #tpu.memory_space<vmem>>
      %dma_start3A_109 = arith.constant 128 : i32
      %dma_start3A_110 = tpu.memref_slice %arg7[%rem3A_45, %dma_start3A_109] : memref<2x640xi32, #tpu.memory_space<vmem>> -> memref<1x128xi32, #tpu.memory_space<vmem>>
      %dma_start3A_111 = tpu.memref_squeeze %dma_start3A_110 : memref<1x128xi32, #tpu.memory_space<vmem>> -> memref<128xi32, #tpu.memory_space<vmem>>
      %dma_start3A_112 = arith.constant 0 : i32
      %dma_start3A_113 = arith.constant 0 : i32
      %dma_start3A_114 = tpu.memref_slice %arg5[%dma_start3A_112, %dma_start3A_113] : memref<512x64xf32, #tpu.memory_space<vmem_shared>> -> memref<512x64xf32, #tpu.memory_space<vmem_shared>>
      tpu.enqueue_indirect_dma source(%dma_start3A_114 : memref<512x64xf32, #tpu.memory_space<vmem_shared>>) target(%dma_start3A_108 : memref<128x64xf32, #tpu.memory_space<vmem>>) offsets(%dma_start3A_111 : memref<128xi32, #tpu.memory_space<vmem>>) semaphore(%arg11 : memref<!tpu.dma_semaphore, #tpu.memory_space<semaphore_mem>>)
      %dma_start3A_115 = arith.constant 256 : i32
      %dma_start3A_116 = arith.constant 0 : i32
      %dma_start3A_117 = tpu.memref_slice %arg8[%rem3A_45, %dma_start3A_115, %dma_start3A_116] : memref<2x640x64xf32, #tpu.memory_space<vmem>> -> memref<1x128x64xf32, #tpu.memory_space<vmem>>
      %dma_start3A_118 = tpu.memref_squeeze %dma_start3A_117 : memref<1x128x64xf32, #tpu.memory_space<vmem>> -> memref<128x64xf32, #tpu.memory_space<vmem>>
      %dma_start3A_119 = arith.constant 256 : i32
      %dma_start3A_120 = tpu.memref_slice %arg7[%rem3A_45, %dma_start3A_119] : memref<2x640xi32, #tpu.memory_space<vmem>> -> memref<1x128xi32, #tpu.memory_space<vmem>>
      %dma_start3A_121 = tpu.memref_squeeze %dma_start3A_120 : memref<1x128xi32, #tpu.memory_space<vmem>> -> memref<128xi32, #tpu.memory_space<vmem>>
      %dma_start3A_122 = arith.constant 0 : i32
      %dma_start3A_123 = arith.constant 0 : i32
      %dma_start3A_124 = tpu.memref_slice %arg5[%dma_start3A_122, %dma_start3A_123] : memref<512x64xf32, #tpu.memory_space<vmem_shared>> -> memref<512x64xf32, #tpu.memory_space<vmem_shared>>
      tpu.enqueue_indirect_dma source(%dma_start3A_124 : memref<512x64xf32, #tpu.memory_space<vmem_shared>>) target(%dma_start3A_118 : memref<128x64xf32, #tpu.memory_space<vmem>>) offsets(%dma_start3A_121 : memref<128xi32, #tpu.memory_space<vmem>>) semaphore(%arg11 : memref<!tpu.dma_semaphore, #tpu.memory_space<semaphore_mem>>)
      %dma_start3A_125 = arith.constant 384 : i32
      %dma_start3A_126 = arith.constant 0 : i32
      %dma_start3A_127 = tpu.memref_slice %arg8[%rem3A_45, %dma_start3A_125, %dma_start3A_126] : memref<2x640x64xf32, #tpu.memory_space<vmem>> -> memref<1x128x64xf32, #tpu.memory_space<vmem>>
      %dma_start3A_128 = tpu.memref_squeeze %dma_start3A_127 : memref<1x128x64xf32, #tpu.memory_space<vmem>> -> memref<128x64xf32, #tpu.memory_space<vmem>>
      %dma_start3A_129 = arith.constant 384 : i32
      %dma_start3A_130 = tpu.memref_slice %arg7[%rem3A_45, %dma_start3A_129] : memref<2x640xi32, #tpu.memory_space<vmem>> -> memref<1x128xi32, #tpu.memory_space<vmem>>
      %dma_start3A_131 = tpu.memref_squeeze %dma_start3A_130 : memref<1x128xi32, #tpu.memory_space<vmem>> -> memref<128xi32, #tpu.memory_space<vmem>>
      %dma_start3A_132 = arith.constant 0 : i32
      %dma_start3A_133 = arith.constant 0 : i32
      %dma_start3A_134 = tpu.memref_slice %arg5[%dma_start3A_132, %dma_start3A_133] : memref<512x64xf32, #tpu.memory_space<vmem_shared>> -> memref<512x64xf32, #tpu.memory_space<vmem_shared>>
      tpu.enqueue_indirect_dma source(%dma_start3A_134 : memref<512x64xf32, #tpu.memory_space<vmem_shared>>) target(%dma_start3A_128 : memref<128x64xf32, #tpu.memory_space<vmem>>) offsets(%dma_start3A_131 : memref<128xi32, #tpu.memory_space<vmem>>) semaphore(%arg11 : memref<!tpu.dma_semaphore, #tpu.memory_space<semaphore_mem>>)
      %dma_start3A_135 = arith.constant 512 : i32
      %dma_start3A_136 = arith.constant 0 : i32
      %dma_start3A_137 = tpu.memref_slice %arg8[%rem3A_45, %dma_start3A_135, %dma_start3A_136] : memref<2x640x64xf32, #tpu.memory_space<vmem>> -> memref<1x128x64xf32, #tpu.memory_space<vmem>>
      %dma_start3A_138 = tpu.memref_squeeze %dma_start3A_137 : memref<1x128x64xf32, #tpu.memory_space<vmem>> -> memref<128x64xf32, #tpu.memory_space<vmem>>
      %dma_start3A_139 = arith.constant 512 : i32
      %dma_start3A_140 = tpu.memref_slice %arg7[%rem3A_45, %dma_start3A_139] : memref<2x640xi32, #tpu.memory_space<vmem>> -> memref<1x128xi32, #tpu.memory_space<vmem>>
      %dma_start3A_141 = tpu.memref_squeeze %dma_start3A_140 : memref<1x128xi32, #tpu.memory_space<vmem>> -> memref<128xi32, #tpu.memory_space<vmem>>
      %dma_start3A_142 = arith.constant 0 : i32
      %dma_start3A_143 = arith.constant 0 : i32
      %dma_start3A_144 = tpu.memref_slice %arg5[%dma_start3A_142, %dma_start3A_143] : memref<512x64xf32, #tpu.memory_space<vmem_shared>> -> memref<512x64xf32, #tpu.memory_space<vmem_shared>>
      tpu.enqueue_indirect_dma source(%dma_start3A_144 : memref<512x64xf32, #tpu.memory_space<vmem_shared>>) target(%dma_start3A_138 : memref<128x64xf32, #tpu.memory_space<vmem>>) offsets(%dma_start3A_141 : memref<128xi32, #tpu.memory_space<vmem>>) semaphore(%arg11 : memref<!tpu.dma_semaphore, #tpu.memory_space<semaphore_mem>>)
      %dma_wait3A_145 = arith.constant 0 : i32
      %dma_wait3A_146 = arith.constant 0 : i32
      %dma_wait3A_147 = tpu.memref_slice %arg8[%rem3A_45, %dma_wait3A_145, %dma_wait3A_146] : memref<2x640x64xf32, #tpu.memory_space<vmem>> -> memref<1x128x64xf32, #tpu.memory_space<vmem>>
      %dma_wait3A_148 = tpu.memref_squeeze %dma_wait3A_147 : memref<1x128x64xf32, #tpu.memory_space<vmem>> -> memref<128x64xf32, #tpu.memory_space<vmem>>
      %dma_wait3A_149 = arith.constant 0 : i32
      %dma_wait3A_150 = tpu.memref_slice %arg7[%rem3A_45, %dma_wait3A_149] : memref<2x640xi32, #tpu.memory_space<vmem>> -> memref<1x128xi32, #tpu.memory_space<vmem>>
      %dma_wait3A_151 = tpu.memref_squeeze %dma_wait3A_150 : memref<1x128xi32, #tpu.memory_space<vmem>> -> memref<128xi32, #tpu.memory_space<vmem>>
      %dma_wait3A_152 = arith.constant 0 : i32
      %dma_wait3A_153 = arith.constant 0 : i32
      %dma_wait3A_154 = tpu.memref_slice %arg5[%dma_wait3A_152, %dma_wait3A_153] : memref<512x64xf32, #tpu.memory_space<vmem_shared>> -> memref<512x64xf32, #tpu.memory_space<vmem_shared>>
      tpu.wait_indirect_dma semaphore(%arg11 : memref<!tpu.dma_semaphore, #tpu.memory_space<semaphore_mem>>) src(%dma_wait3A_154 : memref<512x64xf32, #tpu.memory_space<vmem_shared>>) dst(%dma_wait3A_148 : memref<128x64xf32, #tpu.memory_space<vmem>>)
      %dma_wait3A_155 = arith.constant 128 : i32
      %dma_wait3A_156 = arith.constant 0 : i32
      %dma_wait3A_157 = tpu.memref_slice %arg8[%rem3A_45, %dma_wait3A_155, %dma_wait3A_156] : memref<2x640x64xf32, #tpu.memory_space<vmem>> -> memref<1x128x64xf32, #tpu.memory_space<vmem>>
      %dma_wait3A_158 = tpu.memref_squeeze %dma_wait3A_157 : memref<1x128x64xf32, #tpu.memory_space<vmem>> -> memref<128x64xf32, #tpu.memory_space<vmem>>
      %dma_wait3A_159 = arith.constant 128 : i32
      %dma_wait3A_160 = tpu.memref_slice %arg7[%rem3A_45, %dma_wait3A_159] : memref<2x640xi32, #tpu.memory_space<vmem>> -> memref<1x128xi32, #tpu.memory_space<vmem>>
      %dma_wait3A_161 = tpu.memref_squeeze %dma_wait3A_160 : memref<1x128xi32, #tpu.memory_space<vmem>> -> memref<128xi32, #tpu.memory_space<vmem>>
      %dma_wait3A_162 = arith.constant 0 : i32
      %dma_wait3A_163 = arith.constant 0 : i32
      %dma_wait3A_164 = tpu.memref_slice %arg5[%dma_wait3A_162, %dma_wait3A_163] : memref<512x64xf32, #tpu.memory_space<vmem_shared>> -> memref<512x64xf32, #tpu.memory_space<vmem_shared>>
      tpu.wait_indirect_dma semaphore(%arg11 : memref<!tpu.dma_semaphore, #tpu.memory_space<semaphore_mem>>) src(%dma_wait3A_164 : memref<512x64xf32, #tpu.memory_space<vmem_shared>>) dst(%dma_wait3A_158 : memref<128x64xf32, #tpu.memory_space<vmem>>)
      %dma_wait3A_165 = arith.constant 256 : i32
      %dma_wait3A_166 = arith.constant 0 : i32
      %dma_wait3A_167 = tpu.memref_slice %arg8[%rem3A_45, %dma_wait3A_165, %dma_wait3A_166] : memref<2x640x64xf32, #tpu.memory_space<vmem>> -> memref<1x128x64xf32, #tpu.memory_space<vmem>>
      %dma_wait3A_168 = tpu.memref_squeeze %dma_wait3A_167 : memref<1x128x64xf32, #tpu.memory_space<vmem>> -> memref<128x64xf32, #tpu.memory_space<vmem>>
      %dma_wait3A_169 = arith.constant 256 : i32
      %dma_wait3A_170 = tpu.memref_slice %arg7[%rem3A_45, %dma_wait3A_169] : memref<2x640xi32, #tpu.memory_space<vmem>> -> memref<1x128xi32, #tpu.memory_space<vmem>>
      %dma_wait3A_171 = tpu.memref_squeeze %dma_wait3A_170 : memref<1x128xi32, #tpu.memory_space<vmem>> -> memref<128xi32, #tpu.memory_space<vmem>>
      %dma_wait3A_172 = arith.constant 0 : i32
      %dma_wait3A_173 = arith.constant 0 : i32
      %dma_wait3A_174 = tpu.memref_slice %arg5[%dma_wait3A_172, %dma_wait3A_173] : memref<512x64xf32, #tpu.memory_space<vmem_shared>> -> memref<512x64xf32, #tpu.memory_space<vmem_shared>>
      tpu.wait_indirect_dma semaphore(%arg11 : memref<!tpu.dma_semaphore, #tpu.memory_space<semaphore_mem>>) src(%dma_wait3A_174 : memref<512x64xf32, #tpu.memory_space<vmem_shared>>) dst(%dma_wait3A_168 : memref<128x64xf32, #tpu.memory_space<vmem>>)
      %dma_wait3A_175 = arith.constant 384 : i32
      %dma_wait3A_176 = arith.constant 0 : i32
      %dma_wait3A_177 = tpu.memref_slice %arg8[%rem3A_45, %dma_wait3A_175, %dma_wait3A_176] : memref<2x640x64xf32, #tpu.memory_space<vmem>> -> memref<1x128x64xf32, #tpu.memory_space<vmem>>
      %dma_wait3A_178 = tpu.memref_squeeze %dma_wait3A_177 : memref<1x128x64xf32, #tpu.memory_space<vmem>> -> memref<128x64xf32, #tpu.memory_space<vmem>>
      %dma_wait3A_179 = arith.constant 384 : i32
      %dma_wait3A_180 = tpu.memref_slice %arg7[%rem3A_45, %dma_wait3A_179] : memref<2x640xi32, #tpu.memory_space<vmem>> -> memref<1x128xi32, #tpu.memory_space<vmem>>
      %dma_wait3A_181 = tpu.memref_squeeze %dma_wait3A_180 : memref<1x128xi32, #tpu.memory_space<vmem>> -> memref<128xi32, #tpu.memory_space<vmem>>
      %dma_wait3A_182 = arith.constant 0 : i32
      %dma_wait3A_183 = arith.constant 0 : i32
      %dma_wait3A_184 = tpu.memref_slice %arg5[%dma_wait3A_182, %dma_wait3A_183] : memref<512x64xf32, #tpu.memory_space<vmem_shared>> -> memref<512x64xf32, #tpu.memory_space<vmem_shared>>
      tpu.wait_indirect_dma semaphore(%arg11 : memref<!tpu.dma_semaphore, #tpu.memory_space<semaphore_mem>>) src(%dma_wait3A_184 : memref<512x64xf32, #tpu.memory_space<vmem_shared>>) dst(%dma_wait3A_178 : memref<128x64xf32, #tpu.memory_space<vmem>>)
      %dma_wait3A_185 = arith.constant 512 : i32
      %dma_wait3A_186 = arith.constant 0 : i32
      %dma_wait3A_187 = tpu.memref_slice %arg8[%rem3A_45, %dma_wait3A_185, %dma_wait3A_186] : memref<2x640x64xf32, #tpu.memory_space<vmem>> -> memref<1x128x64xf32, #tpu.memory_space<vmem>>
      %dma_wait3A_188 = tpu.memref_squeeze %dma_wait3A_187 : memref<1x128x64xf32, #tpu.memory_space<vmem>> -> memref<128x64xf32, #tpu.memory_space<vmem>>
      %dma_wait3A_189 = arith.constant 512 : i32
      %dma_wait3A_190 = tpu.memref_slice %arg7[%rem3A_45, %dma_wait3A_189] : memref<2x640xi32, #tpu.memory_space<vmem>> -> memref<1x128xi32, #tpu.memory_space<vmem>>
      %dma_wait3A_191 = tpu.memref_squeeze %dma_wait3A_190 : memref<1x128xi32, #tpu.memory_space<vmem>> -> memref<128xi32, #tpu.memory_space<vmem>>
      %dma_wait3A_192 = arith.constant 0 : i32
      %dma_wait3A_193 = arith.constant 0 : i32
      %dma_wait3A_194 = tpu.memref_slice %arg5[%dma_wait3A_192, %dma_wait3A_193] : memref<512x64xf32, #tpu.memory_space<vmem_shared>> -> memref<512x64xf32, #tpu.memory_space<vmem_shared>>
      tpu.wait_indirect_dma semaphore(%arg11 : memref<!tpu.dma_semaphore, #tpu.memory_space<semaphore_mem>>) src(%dma_wait3A_194 : memref<512x64xf32, #tpu.memory_space<vmem_shared>>) dst(%dma_wait3A_188 : memref<128x64xf32, #tpu.memory_space<vmem>>)
      %ge3A_195 = arith.constant 1 : i32
      %ge3A_196 = arith.cmpi sge, %while3A_38, %ge3A_195 : i32
      %convert_element_type3A_197 = arith.extui %ge3A_196 : i1 to i32
      %cond3A_198 = arith.constant 0 : i32
      %cond3A_199 = arith.cmpi ne, %convert_element_type3A_197, %cond3A_198 : i32
      scf.if %cond3A_199 {
        %dma_wait3A_212 = arith.constant 0 : i32
        %dma_wait3A_213 = arith.constant 0 : i32
        %dma_wait3A_214 = tpu.memref_slice %arg8[%rem3A_45, %dma_wait3A_212, %dma_wait3A_213] : memref<2x640x64xf32, #tpu.memory_space<vmem>> -> memref<1x640x64xf32, #tpu.memory_space<vmem>>
        %dma_wait3A_215 = tpu.memref_squeeze %dma_wait3A_214 : memref<1x640x64xf32, #tpu.memory_space<vmem>> -> memref<640x64xf32, #tpu.memory_space<vmem>>
        %dma_wait3A_216 = arith.constant 0 : i32
        %dma_wait3A_217 = tpu.memref_slice %arg4[%mul3A_43, %dma_wait3A_216] : memref<800000x64xf32, #tpu.memory_space<hbm>> -> memref<640x64xf32, #tpu.memory_space<hbm>>
        %dma_wait3A_218 = arith.constant 0 : i32
        %dma_wait3A_219 = tpu.memref_slice %arg4[%mul3A_43, %dma_wait3A_218] : memref<800000x64xf32, #tpu.memory_space<hbm>> -> memref<640x64xf32, #tpu.memory_space<hbm>>
        %dma_wait3A_220 = arith.constant 0 : i32
        %dma_wait3A_221 = arith.constant 0 : i32
        %dma_wait3A_222 = tpu.memref_slice %arg8[%rem3A_45, %dma_wait3A_220, %dma_wait3A_221] : memref<2x640x64xf32, #tpu.memory_space<vmem>> -> memref<1x640x64xf32, #tpu.memory_space<vmem>>
        %dma_wait3A_223 = tpu.memref_squeeze %dma_wait3A_222 : memref<1x640x64xf32, #tpu.memory_space<vmem>> -> memref<640x64xf32, #tpu.memory_space<vmem>>
        tpu.wait_dma2 semaphore(%arg12 : memref<!tpu.dma_semaphore, #tpu.memory_space<semaphore_mem>>) src(%dma_wait3A_223 : memref<640x64xf32, #tpu.memory_space<vmem>>) dst(%dma_wait3A_219 : memref<640x64xf32, #tpu.memory_space<hbm>>)
      } else {
      }
      %dma_start3A_200 = arith.constant 0 : i32
      %dma_start3A_201 = arith.constant 0 : i32
      %dma_start3A_202 = tpu.memref_slice %arg8[%rem3A_45, %dma_start3A_200, %dma_start3A_201] : memref<2x640x64xf32, #tpu.memory_space<vmem>> -> memref<1x640x64xf32, #tpu.memory_space<vmem>>
      %dma_start3A_203 = tpu.memref_squeeze %dma_start3A_202 : memref<1x640x64xf32, #tpu.memory_space<vmem>> -> memref<640x64xf32, #tpu.memory_space<vmem>>
      %dma_start3A_204 = arith.constant 0 : i32
      %dma_start3A_205 = tpu.memref_slice %arg4[%mul3A_43, %dma_start3A_204] : memref<800000x64xf32, #tpu.memory_space<hbm>> -> memref<640x64xf32, #tpu.memory_space<hbm>>
      %dma_start3A_206 = arith.constant 0 : i32
      %dma_start3A_207 = tpu.memref_slice %arg4[%mul3A_43, %dma_start3A_206] : memref<800000x64xf32, #tpu.memory_space<hbm>> -> memref<640x64xf32, #tpu.memory_space<hbm>>
      %dma_start3A_208 = arith.constant 0 : i32
      %dma_start3A_209 = arith.constant 0 : i32
      %dma_start3A_210 = tpu.memref_slice %arg8[%rem3A_45, %dma_start3A_208, %dma_start3A_209] : memref<2x640x64xf32, #tpu.memory_space<vmem>> -> memref<1x640x64xf32, #tpu.memory_space<vmem>>
      %dma_start3A_211 = tpu.memref_squeeze %dma_start3A_210 : memref<1x640x64xf32, #tpu.memory_space<vmem>> -> memref<640x64xf32, #tpu.memory_space<vmem>>
      tpu.enqueue_dma source(%dma_start3A_211 : memref<640x64xf32, #tpu.memory_space<vmem>>) target(%dma_start3A_207 : memref<640x64xf32, #tpu.memory_space<hbm>>) target_semaphore(%arg12 : memref<!tpu.dma_semaphore, #tpu.memory_space<semaphore_mem>>)
    }
    %ge3A = arith.constant 1 : i32
    %ge3A_34 = arith.cmpi sge, %select_n3A, %ge3A : i32
    %convert_element_type3A_35 = arith.extui %ge3A_34 : i1 to i32
    %cond3A_36 = arith.constant 0 : i32
    %cond3A_37 = arith.cmpi ne, %convert_element_type3A_35, %cond3A_36 : i32
    scf.if %cond3A_37 {
      %dma_wait3A = arith.constant 0 : i32
      %dma_wait3A_38 = arith.constant 0 : i32
      %dma_wait3A_39 = arith.constant 0 : i32
      %dma_wait3A_40 = tpu.memref_slice %arg8[%dma_wait3A, %dma_wait3A_38, %dma_wait3A_39] : memref<2x640x64xf32, #tpu.memory_space<vmem>> -> memref<1x640x64xf32, #tpu.memory_space<vmem>>
      %dma_wait3A_41 = tpu.memref_squeeze %dma_wait3A_40 : memref<1x640x64xf32, #tpu.memory_space<vmem>> -> memref<640x64xf32, #tpu.memory_space<vmem>>
      %dma_wait3A_42 = arith.constant 0 : i32
      %dma_wait3A_43 = arith.constant 0 : i32
      %dma_wait3A_44 = tpu.memref_slice %arg4[%dma_wait3A_42, %dma_wait3A_43] : memref<800000x64xf32, #tpu.memory_space<hbm>> -> memref<640x64xf32, #tpu.memory_space<hbm>>
      %dma_wait3A_45 = arith.constant 0 : i32
      %dma_wait3A_46 = arith.constant 0 : i32
      %dma_wait3A_47 = tpu.memref_slice %arg4[%dma_wait3A_45, %dma_wait3A_46] : memref<800000x64xf32, #tpu.memory_space<hbm>> -> memref<640x64xf32, #tpu.memory_space<hbm>>
      %dma_wait3A_48 = arith.constant 0 : i32
      %dma_wait3A_49 = arith.constant 0 : i32
      %dma_wait3A_50 = tpu.memref_slice %arg8[%dma_wait3A, %dma_wait3A_48, %dma_wait3A_49] : memref<2x640x64xf32, #tpu.memory_space<vmem>> -> memref<1x640x64xf32, #tpu.memory_space<vmem>>
      %dma_wait3A_51 = tpu.memref_squeeze %dma_wait3A_50 : memref<1x640x64xf32, #tpu.memory_space<vmem>> -> memref<640x64xf32, #tpu.memory_space<vmem>>
      tpu.wait_dma2 semaphore(%arg12 : memref<!tpu.dma_semaphore, #tpu.memory_space<semaphore_mem>>) src(%dma_wait3A_51 : memref<640x64xf32, #tpu.memory_space<vmem>>) dst(%dma_wait3A_47 : memref<640x64xf32, #tpu.memory_space<hbm>>)
    } else {
    }
    return
  }
}

module attributes {stable_mosaic.version = 14 : i64} {
  func.func @_table_body(%arg0: memref<32x64xf32, #tpu.memory_space<vmem>>, %arg1: memref<8x64xf32, #tpu.memory_space<vmem>>, %arg2: memref<8x64xf32, #tpu.memory_space<vmem>>, %arg3: memref<192x64xf32, #tpu.memory_space<vmem>>, %arg4: memref<1x64xf32, #tpu.memory_space<vmem>>, %arg5: memref<512x64xf32, #tpu.memory_space<vmem>>) attributes {dimension_semantics = [], scalar_prefetch = 0 : i64, scratch_operands = 0 : i64, tpu.core_type = #tpu.core_type<tc>} {
    %get3A = arith.constant 0 : index
    %get3A_0 = arith.constant 0 : index
    %get3A_1 = vector.load %arg0[%get3A, %get3A_0] : memref<32x64xf32, #tpu.memory_space<vmem>>, vector<32x64xf32>
    %get3A_2 = arith.constant 0 : index
    %get3A_3 = arith.constant 0 : index
    %get3A_4 = vector.load %arg3[%get3A_2, %get3A_3] : memref<192x64xf32, #tpu.memory_space<vmem>>, vector<64x64xf32>
    %dot_general3A = arith.constant dense<0.000000e+00> : vector<32x64xf32>
    %dot_general3A_5 = tpu.matmul %get3A_1, %get3A_4, %dot_general3A {dimension_numbers = #tpu.dot_dimension_numbers<[1], [0], [0], [1], [0, 0, 1, 1], [], []>, transpose_lhs_hint = false} : vector<32x64xf32>, vector<64x64xf32>, vector<32x64xf32> -> vector<32x64xf32>
    %get3A_6 = arith.constant 0 : index
    %get3A_7 = arith.constant 0 : index
    %get3A_8 = vector.load %arg1[%get3A_6, %get3A_7] : memref<8x64xf32, #tpu.memory_space<vmem>>, vector<8x64xf32>
    %get3A_9 = arith.constant 64 : index
    %get3A_10 = arith.constant 0 : index
    %get3A_11 = vector.load %arg3[%get3A_9, %get3A_10] : memref<192x64xf32, #tpu.memory_space<vmem>>, vector<64x64xf32>
    %dot_general3A_12 = arith.constant dense<0.000000e+00> : vector<8x64xf32>
    %dot_general3A_13 = tpu.matmul %get3A_8, %get3A_11, %dot_general3A_12 {dimension_numbers = #tpu.dot_dimension_numbers<[1], [0], [0], [1], [0, 0, 1, 1], [], []>, transpose_lhs_hint = false} : vector<8x64xf32>, vector<64x64xf32>, vector<8x64xf32> -> vector<8x64xf32>
    %get3A_14 = arith.constant 0 : index
    %get3A_15 = arith.constant 0 : index
    %get3A_16 = vector.load %arg2[%get3A_14, %get3A_15] : memref<8x64xf32, #tpu.memory_space<vmem>>, vector<8x64xf32>
    %get3A_17 = arith.constant 128 : index
    %get3A_18 = arith.constant 0 : index
    %get3A_19 = vector.load %arg3[%get3A_17, %get3A_18] : memref<192x64xf32, #tpu.memory_space<vmem>>, vector<64x64xf32>
    %dot_general3A_20 = arith.constant dense<0.000000e+00> : vector<8x64xf32>
    %dot_general3A_21 = tpu.matmul %get3A_16, %get3A_19, %dot_general3A_20 {dimension_numbers = #tpu.dot_dimension_numbers<[1], [0], [0], [1], [0, 0, 1, 1], [], []>, transpose_lhs_hint = false} : vector<8x64xf32>, vector<64x64xf32>, vector<8x64xf32> -> vector<8x64xf32>
    %iota3A = tpu.iota {dimensions = array<i32: 0>} : vector<512x1xi32>
    %iota3A_22 = tpu.iota {dimensions = array<i32: 1>} : vector<1x32xi32>
    %iota3A_23 = tpu.iota {dimensions = array<i32: 1>} : vector<1x8xi32>
    %jit3A = arith.constant 16 : i32
    %div3A = vector.broadcast %jit3A : i32 to vector<512x1xi32>
    %div3A_24 = arith.divsi %iota3A, %div3A : vector<512x1xi32>
    %sign3A = arith.constant 0 : i32
    %sign3A_25 = vector.broadcast %sign3A : i32 to vector<512x1xi32>
    %sign3A_26 = arith.cmpi sgt, %iota3A, %sign3A_25 : vector<512x1xi32>
    %sign3A_27 = arith.extui %sign3A_26 : vector<512x1xi1> to vector<512x1xi32>
    %sign3A_28 = arith.constant 0 : i32
    %sign3A_29 = vector.broadcast %sign3A_28 : i32 to vector<512x1xi32>
    %sign3A_30 = arith.cmpi slt, %iota3A, %sign3A_29 : vector<512x1xi32>
    %sign3A_31 = arith.extui %sign3A_30 : vector<512x1xi1> to vector<512x1xi32>
    %sign3A_32 = arith.subi %sign3A_27, %sign3A_31 : vector<512x1xi32>
    %sign3A_33 = arith.constant 0 : i32
    %sign3A_34 = arith.cmpi sgt, %jit3A, %sign3A_33 : i32
    %sign3A_35 = arith.extui %sign3A_34 : i1 to i32
    %sign3A_36 = arith.constant 0 : i32
    %sign3A_37 = arith.cmpi slt, %jit3A, %sign3A_36 : i32
    %sign3A_38 = arith.extui %sign3A_37 : i1 to i32
    %sign3A_39 = arith.subi %sign3A_35, %sign3A_38 : i32
    %ne3A = vector.broadcast %sign3A_39 : i32 to vector<512x1xi32>
    %ne3A_40 = arith.cmpi ne, %sign3A_32, %ne3A : vector<512x1xi32>
    %rem3A = vector.broadcast %jit3A : i32 to vector<512x1xi32>
    %rem3A_41 = arith.remsi %iota3A, %rem3A : vector<512x1xi32>
    %ne3A_42 = arith.constant 0 : i32
    %ne3A_43 = vector.broadcast %ne3A_42 : i32 to vector<512x1xi32>
    %ne3A_44 = arith.cmpi ne, %rem3A_41, %ne3A_43 : vector<512x1xi32>
    %and3A = arith.andi %ne3A_40, %ne3A_44 : vector<512x1xi1>
    %sub3A = arith.constant 1 : i32
    %sub3A_45 = vector.broadcast %sub3A : i32 to vector<512x1xi32>
    %sub3A_46 = arith.subi %div3A_24, %sub3A_45 : vector<512x1xi32>
    %select_n3A = arith.select %and3A, %sub3A_46, %div3A_24 : vector<512x1xi1>, vector<512x1xi32>
    %eq3A = vector.broadcast %select_n3A : vector<512x1xi32> to vector<512x32xi32>
    %eq3A_47 = vector.broadcast %iota3A_22 : vector<1x32xi32> to vector<512x32xi32>
    %eq3A_48 = arith.cmpi eq, %eq3A, %eq3A_47 : vector<512x32xi32>
    %convert_element_type3A = arith.extui %eq3A_48 : vector<512x32xi1> to vector<512x32xi32>
    %convert_element_type3A_49 = arith.sitofp %convert_element_type3A : vector<512x32xi32> to vector<512x32xf32>
    %jit3A_50 = arith.constant 2 : i32
    %div3A_51 = vector.broadcast %jit3A_50 : i32 to vector<512x1xi32>
    %div3A_52 = arith.divsi %iota3A, %div3A_51 : vector<512x1xi32>
    %sign3A_53 = arith.constant 0 : i32
    %sign3A_54 = vector.broadcast %sign3A_53 : i32 to vector<512x1xi32>
    %sign3A_55 = arith.cmpi sgt, %iota3A, %sign3A_54 : vector<512x1xi32>
    %sign3A_56 = arith.extui %sign3A_55 : vector<512x1xi1> to vector<512x1xi32>
    %sign3A_57 = arith.constant 0 : i32
    %sign3A_58 = vector.broadcast %sign3A_57 : i32 to vector<512x1xi32>
    %sign3A_59 = arith.cmpi slt, %iota3A, %sign3A_58 : vector<512x1xi32>
    %sign3A_60 = arith.extui %sign3A_59 : vector<512x1xi1> to vector<512x1xi32>
    %sign3A_61 = arith.subi %sign3A_56, %sign3A_60 : vector<512x1xi32>
    %sign3A_62 = arith.constant 0 : i32
    %sign3A_63 = arith.cmpi sgt, %jit3A_50, %sign3A_62 : i32
    %sign3A_64 = arith.extui %sign3A_63 : i1 to i32
    %sign3A_65 = arith.constant 0 : i32
    %sign3A_66 = arith.cmpi slt, %jit3A_50, %sign3A_65 : i32
    %sign3A_67 = arith.extui %sign3A_66 : i1 to i32
    %sign3A_68 = arith.subi %sign3A_64, %sign3A_67 : i32
    %ne3A_69 = vector.broadcast %sign3A_68 : i32 to vector<512x1xi32>
    %ne3A_70 = arith.cmpi ne, %sign3A_61, %ne3A_69 : vector<512x1xi32>
    %rem3A_71 = vector.broadcast %jit3A_50 : i32 to vector<512x1xi32>
    %rem3A_72 = arith.remsi %iota3A, %rem3A_71 : vector<512x1xi32>
    %ne3A_73 = arith.constant 0 : i32
    %ne3A_74 = vector.broadcast %ne3A_73 : i32 to vector<512x1xi32>
    %ne3A_75 = arith.cmpi ne, %rem3A_72, %ne3A_74 : vector<512x1xi32>
    %and3A_76 = arith.andi %ne3A_70, %ne3A_75 : vector<512x1xi1>
    %sub3A_77 = arith.constant 1 : i32
    %sub3A_78 = vector.broadcast %sub3A_77 : i32 to vector<512x1xi32>
    %sub3A_79 = arith.subi %div3A_52, %sub3A_78 : vector<512x1xi32>
    %select_n3A_80 = arith.select %and3A_76, %sub3A_79, %div3A_52 : vector<512x1xi1>, vector<512x1xi32>
    %jit3A_81 = arith.constant 8 : i32
    %eq3A_82 = arith.constant 0 : i32
    %eq3A_83 = arith.cmpi eq, %jit3A_81, %eq3A_82 : i32
    %jit3A_84 = arith.constant 1 : i32
    %select_n3A_85 = arith.select %eq3A_83, %jit3A_84, %jit3A_81 : i32
    %rem3A_86 = vector.broadcast %select_n3A_85 : i32 to vector<512x1xi32>
    %rem3A_87 = arith.remsi %select_n3A_80, %rem3A_86 : vector<512x1xi32>
    %ne3A_88 = arith.constant 0 : i32
    %ne3A_89 = vector.broadcast %ne3A_88 : i32 to vector<512x1xi32>
    %ne3A_90 = arith.cmpi ne, %rem3A_87, %ne3A_89 : vector<512x1xi32>
    %lt3A = arith.constant 0 : i32
    %lt3A_91 = vector.broadcast %lt3A : i32 to vector<512x1xi32>
    %lt3A_92 = arith.cmpi slt, %rem3A_87, %lt3A_91 : vector<512x1xi32>
    %lt3A_93 = arith.constant 0 : i32
    %lt3A_94 = arith.cmpi slt, %select_n3A_85, %lt3A_93 : i32
    %ne3A_95 = vector.broadcast %lt3A_94 : i1 to vector<512x1xi1>
    %ne3A_96 = vector.broadcast %ne3A_95 : vector<512x1xi1> to vector<512x1xi1>
    %ne3A_97 = arith.xori %lt3A_92, %ne3A_96 : vector<512x1xi1>
    %and3A_98 = arith.andi %ne3A_97, %ne3A_90 : vector<512x1xi1>
    %add3A = vector.broadcast %select_n3A_85 : i32 to vector<512x1xi32>
    %add3A_99 = arith.addi %rem3A_87, %add3A : vector<512x1xi32>
    %select_n3A_100 = arith.select %and3A_98, %add3A_99, %rem3A_87 : vector<512x1xi1>, vector<512x1xi32>
    %eq3A_101 = vector.broadcast %select_n3A_100 : vector<512x1xi32> to vector<512x8xi32>
    %eq3A_102 = vector.broadcast %iota3A_23 : vector<1x8xi32> to vector<512x8xi32>
    %eq3A_103 = arith.cmpi eq, %eq3A_101, %eq3A_102 : vector<512x8xi32>
    %convert_element_type3A_104 = arith.extui %eq3A_103 : vector<512x8xi1> to vector<512x8xi32>
    %convert_element_type3A_105 = arith.sitofp %convert_element_type3A_104 : vector<512x8xi32> to vector<512x8xf32>
    %jit3A_106 = arith.constant 2 : i32
    %eq3A_107 = arith.constant 0 : i32
    %eq3A_108 = arith.cmpi eq, %jit3A_106, %eq3A_107 : i32
    %jit3A_109 = arith.constant 1 : i32
    %select_n3A_110 = arith.select %eq3A_108, %jit3A_109, %jit3A_106 : i32
    %rem3A_111 = vector.broadcast %select_n3A_110 : i32 to vector<512x1xi32>
    %rem3A_112 = arith.remsi %iota3A, %rem3A_111 : vector<512x1xi32>
    %ne3A_113 = arith.constant 0 : i32
    %ne3A_114 = vector.broadcast %ne3A_113 : i32 to vector<512x1xi32>
    %ne3A_115 = arith.cmpi ne, %rem3A_112, %ne3A_114 : vector<512x1xi32>
    %lt3A_116 = arith.constant 0 : i32
    %lt3A_117 = vector.broadcast %lt3A_116 : i32 to vector<512x1xi32>
    %lt3A_118 = arith.cmpi slt, %rem3A_112, %lt3A_117 : vector<512x1xi32>
    %lt3A_119 = arith.constant 0 : i32
    %lt3A_120 = arith.cmpi slt, %select_n3A_110, %lt3A_119 : i32
    %ne3A_121 = vector.broadcast %lt3A_120 : i1 to vector<512x1xi1>
    %ne3A_122 = vector.broadcast %ne3A_121 : vector<512x1xi1> to vector<512x1xi1>
    %ne3A_123 = arith.xori %lt3A_118, %ne3A_122 : vector<512x1xi1>
    %and3A_124 = arith.andi %ne3A_123, %ne3A_115 : vector<512x1xi1>
    %add3A_125 = vector.broadcast %select_n3A_110 : i32 to vector<512x1xi32>
    %add3A_126 = arith.addi %rem3A_112, %add3A_125 : vector<512x1xi32>
    %select_n3A_127 = arith.select %and3A_124, %add3A_126, %rem3A_112 : vector<512x1xi1>, vector<512x1xi32>
    %eq3A_128 = vector.broadcast %select_n3A_127 : vector<512x1xi32> to vector<512x8xi32>
    %eq3A_129 = vector.broadcast %iota3A_23 : vector<1x8xi32> to vector<512x8xi32>
    %eq3A_130 = arith.cmpi eq, %eq3A_128, %eq3A_129 : vector<512x8xi32>
    %convert_element_type3A_131 = arith.extui %eq3A_130 : vector<512x8xi1> to vector<512x8xi32>
    %convert_element_type3A_132 = arith.sitofp %convert_element_type3A_131 : vector<512x8xi32> to vector<512x8xf32>
    %dot_general3A_133 = arith.constant dense<0.000000e+00> : vector<512x64xf32>
    %dot_general3A_134 = tpu.matmul %convert_element_type3A_49, %dot_general3A_5, %dot_general3A_133 {dimension_numbers = #tpu.dot_dimension_numbers<[1], [0], [0], [1], [0, 0, 1, 1], [], []>, transpose_lhs_hint = false} : vector<512x32xf32>, vector<32x64xf32>, vector<512x64xf32> -> vector<512x64xf32>
    %dot_general3A_135 = arith.constant dense<0.000000e+00> : vector<512x64xf32>
    %dot_general3A_136 = tpu.matmul %convert_element_type3A_105, %dot_general3A_13, %dot_general3A_135 {dimension_numbers = #tpu.dot_dimension_numbers<[1], [0], [0], [1], [0, 0, 1, 1], [], []>, transpose_lhs_hint = false} : vector<512x8xf32>, vector<8x64xf32>, vector<512x64xf32> -> vector<512x64xf32>
    %add3A_137 = arith.addf %dot_general3A_134, %dot_general3A_136 : vector<512x64xf32>
    %dot_general3A_138 = arith.constant dense<0.000000e+00> : vector<512x64xf32>
    %dot_general3A_139 = tpu.matmul %convert_element_type3A_132, %dot_general3A_21, %dot_general3A_138 {dimension_numbers = #tpu.dot_dimension_numbers<[1], [0], [0], [1], [0, 0, 1, 1], [], []>, transpose_lhs_hint = false} : vector<512x8xf32>, vector<8x64xf32>, vector<512x64xf32> -> vector<512x64xf32>
    %add3A_140 = arith.addf %add3A_137, %dot_general3A_139 : vector<512x64xf32>
    %get3A_141 = arith.constant 0 : index
    %get3A_142 = arith.constant 0 : index
    %get3A_143 = vector.load %arg4[%get3A_141, %get3A_142] : memref<1x64xf32, #tpu.memory_space<vmem>>, vector<1x64xf32>
    %add3A_144 = vector.broadcast %get3A_143 : vector<1x64xf32> to vector<512x64xf32>
    %add3A_145 = arith.addf %add3A_140, %add3A_144 : vector<512x64xf32>
    %swap3A = arith.constant 0 : index
    %swap3A_146 = arith.constant 0 : index
    %swap3A_147 = vector.load %arg5[%swap3A, %swap3A_146] : memref<512x64xf32, #tpu.memory_space<vmem>>, vector<512x64xf32>
    tpu.vector_store %arg5[%swap3A, %swap3A_146], %add3A_145 {strides = array<i32>} : memref<512x64xf32, #tpu.memory_space<vmem>>, vector<512x64xf32>,
    return
  }
}

</mosaic_0001>

<sc_bundles>
// kernel: kernel.4.cloned.1.call-start
scs
__scs_entry_jumppad:
0x0: {  	(pc) =	sbr.rel $0x88, $3  }
0x1: {  	(tag) =	ssettag $0x0;
	lr =	simm.s32 $0x1  }
0x2: {  	[smem:$0x3F9B] =	sst lr;
	_ =	strace $0xD0000000  }
0x3: {  	_ = 	snop  }
0x4: {  	_ = 	snop  }
0x5: {  	_ = 	snop  }
0x6: {  	_ = 	snop  }
0x7: {  	_ = 	snop  }
__scs_overlays_trampoline_lowered:
0x8: {  	[smem:$0x3FAA] =	sst s0  }
0x9: {  	[smem:$0x3FAB] =	sst s1  }
0xa: {  	[smem:$0x3FAC] =	sst s2  }
0xb: {  	[smem:$0x3FAD] =	sst s3  }
0xc: {  	[smem:$0x3FAE] =	sst s4  }
0xd: {  	[smem:$0x3FAF] =	sst s5  }
0xe: {  	[smem:$0x3FB0] =	sst s6  }
0xf: {  	[smem:$0x3FB1] =	sst s7  }
0x10: {  	[smem:$0x3FB2] =	sst s8  }
0x11: {  	[smem:$0x3FB3] =	sst s9;
	s0 =	simm.s32 @!p0 $0x0  }
0x12: {  	s1 =	sld [smem:$0x3F99];
	s0 =	simm.s32 @p0 $0x1  }
0x13: {  	[smem:$0x3FB4] =	sst s0;
	s0 =	simm.s32 @!p1 $0x0  }
0x14: {  	s2 =	sld [smem:$0x3F98];
	s0 =	simm.s32 @p1 $0x1  }
0x15: {  	[smem:$0x3FB5] =	sst s0;
	s0 =	simm.s32 @!p2 $0x0  }
0x16: {  	s3 =	sld [smem:$0x3FDB];
	s0 =	simm.s32 @p2 $0x1  }
0x17: {  	s4 =	simm.s32 $0x1BF5;
	[smem:$0x3FB7] =	sst s0  }
0x18: {  	s0 =	sld [smem:$0x3F9A];
	_ =	swait.ge [sflag:s4], $0x0  }
0x19: {  	s7 =	sld [smem:$0x3F9B]  }
0x1a: {  	s8 =	sadd.s32 $0xFFFFE003, lr  }
0x1b: {  	s9 =	sadd.s32 $0xFFFFFEF7, lr;
	s5 =	simm.s32 $0xFFFFFFFF;
	p2 =	slt.u32 s8, $0xFFFFF086  }
0x1c: {  	p1 =	slt.u32 s9, $0xF7A;
	s5 =	simm.s32 @!p2 $0x0  }
0x1d: {  	s5 =	simm.s32 @p1 $0x1;
	p0 =	seq.s32 s7, s2  }
0x1e: {  	s7 =	smul.u32 @!p0 $0xF7A, s2;
	p2 =	seq.s32 @!p0 s5, $0x0  }
0x1f: {  	s9 =	smul.u32 $0xF7A, s1;
	s8 =	simm.s32 @!p0 $0x1BF5;
	p2 =	por !p2, p0  }
0x20: {  	[sflag:s8] =	ssyncset.s32 @!p0 $0xFFFFF086;
	s6 =	sadd.s32 @!p0 s3, s7;
	s7 =	simm.s32 @!p0 $0x108  }
0x21: {  	s3 =	sadd.s32 s3, s9;
	s6 =	sadd.s32 @!p0 $0x88, s6;
	s7 =	simm.s32 @p2 $0x1082  }
0x22: {  	[simem:s7], [sflag:s8] =	dma.local @!p0 [hbm:s6], $0xF7A  }
0x23: {  	s9 =	sor.u32 $0xD0000000, s2;
	s6 =	simm.s32 $0x108;
	_ =	swait.ge @!p0 [sflag:s8], $0x0  }
0x24: {  	s3 =	sadd.s32 $0x88, s3;
	s6 =	simm.s32 @!p1 $0x1082;
	[sflag:s4] =	ssyncset.s32 $0xFFFFF086  }
0x25: {  	[simem:s6], [sflag:s4] =	dma.local [hbm:s3], $0xF7A  }
0x26: {  	[smem:$0x3F9B] =	sst s1;
	(tag) =	ssettag s2;
	_ =	strace s9  }
0x27: {  	s1 =	sld [smem:$0x3FAB]  }
0x28: {  	s2 =	sld [smem:$0x3FAC]  }
0x29: {  	s4 =	sld [smem:$0x3FAE]  }
0x2a: {  	p0 =	seq.s32 s5, $0x0;
	s5 =	sld [smem:$0x3FAF]  }
0x2b: {  	s6 =	sld [smem:$0x3FB0]  }
0x2c: {  	s7 =	sld [smem:$0x3FB1]  }
0x2d: {  	s3 =	simm.s32 $0x108;
	s8 =	sld [smem:$0x3FB2]  }
0x2e: {  	s3 =	simm.s32 @!p0 $0x1082;
	s9 =	sld [smem:$0x3FB3]  }
0x2f: {  	lr =	sadd.s32 s0, s3;
	s0 =	sld [smem:$0x3FAA]  }
0x30: {  	s3 =	sld [smem:$0x3FAD]  }
0x31: {  	[smem:$0x3FB6] =	sst s10  }
0x32: {  	s10 =	sld [smem:$0x3FB4];
	_ =	sdelay $0x3  }
0x33: {  	p0 =	seq.s32 s10, $0x1;
	s10 =	sld [smem:$0x3FB6];
	_ =	sdelay $0x3  }
0x34: {  	[smem:$0x3FB6] =	sst s10  }
0x35: {  	s10 =	sld [smem:$0x3FB5];
	_ =	sdelay $0x3  }
0x36: {  	p1 =	seq.s32 s10, $0x1;
	s10 =	sld [smem:$0x3FB6];
	_ =	sdelay $0x3  }
0x37: {  	[smem:$0x3FB6] =	sst s10  }
0x38: {  	s10 =	sld [smem:$0x3FB7]  }
0x39: {  	_ = 	snop;
	(pc) =	sbr.ind lr, $3  }
0x3a: {  	_ = 	snop  }
0x3b: {  	_ = 	snop  }
0x3c: {  	p2 =	seq.s32 s10, $0x1;
	s10 =	sld [smem:$0x3FB6]  }
0x3d: {  	_ =	shalt  }
0x3e: {  	_ =	shalt  }
0x3f: {  	_ =	shalt  }
0x40: {  	_ =	shalt  }
0x41: {  	_ =	shalt  }
0x42: {  	_ =	shalt  }
0x43: {  	_ =	shalt  }
0x44: {  	_ =	shalt  }
0x45: {  	_ =	shalt  }
0x46: {  	_ =	shalt  }
0x47: {  	_ =	shalt  }
0x48: {  	_ =	shalt  }
0x49: {  	_ =	shalt  }
0x4a: {  	_ =	shalt  }
0x4b: {  	_ =	shalt  }
0x4c: {  	_ =	shalt  }
0x4d: {  	_ =	shalt  }
0x4e: {  	_ =	shalt  }
0x4f: {  	_ =	shalt  }
0x50: {  	_ =	shalt  }
0x51: {  	_ =	shalt  }
0x52: {  	_ =	shalt  }
0x53: {  	_ =	shalt  }
0x54: {  	_ =	shalt  }
0x55: {  	_ =	shalt  }
0x56: {  	_ =	shalt  }
0x57: {  	_ =	shalt  }
0x58: {  	_ =	shalt  }
0x59: {  	_ =	shalt  }
0x5a: {  	_ =	shalt  }
0x5b: {  	_ =	shalt  }
0x5c: {  	_ =	shalt  }
0x5d: {  	_ =	shalt  }
0x5e: {  	_ =	shalt  }
0x5f: {  	_ =	shalt  }
0x60: {  	_ =	shalt  }
0x61: {  	_ =	shalt  }
0x62: {  	_ =	shalt  }
0x63: {  	_ =	shalt  }
0x64: {  	_ =	shalt  }
0x65: {  	_ =	shalt  }
0x66: {  	_ =	shalt  }
0x67: {  	_ =	shalt  }
0x68: {  	_ =	shalt  }
0x69: {  	_ =	shalt  }
0x6a: {  	_ =	shalt  }
0x6b: {  	_ =	shalt  }
0x6c: {  	_ =	shalt  }
0x6d: {  	_ =	shalt  }
0x6e: {  	_ =	shalt  }
0x6f: {  	_ =	shalt  }
0x70: {  	_ =	shalt  }
0x71: {  	_ =	shalt  }
0x72: {  	_ =	shalt  }
0x73: {  	_ =	shalt  }
0x74: {  	_ =	shalt  }
0x75: {  	_ =	shalt  }
0x76: {  	_ =	shalt  }
0x77: {  	_ =	shalt  }
0x78: {  	_ =	shalt  }
0x79: {  	_ =	shalt  }
0x7a: {  	_ =	shalt  }
0x7b: {  	_ =	shalt  }
0x7c: {  	_ =	shalt  }
0x7d: {  	_ =	shalt  }
0x7e: {  	_ =	shalt  }
0x7f: {  	_ =	shalt  }
0x80: {  	_ =	shalt  }
0x81: {  	_ =	shalt  }
0x82: {  	_ =	shalt  }
0x83: {  	_ =	shalt  }
0x84: {  	_ =	shalt  }
0x85: {  	_ =	shalt  }
0x86: {  	_ =	shalt  }
0x87: {  	_ =	shalt  }
.Lfunc_end0:
.L_simem_size_0:
called_computation.1_lowered:
.L_overlay_start_0:
0x88: {  	s2 =	sld [smem:$0x3FD9]  }
0x89: {  	s3 =	sld [smem:$0x3FFE];
	_ =	sdelay $0x1  }
0x8a: {  	s1 =	srdreg.scid  }
0x8b: {  	s0 =	sand.u32 $0x1, s1  }
0x8c: {  	s17 =	sshll.u32 s0, $0xA;
	s2 =	sadd.s32 s3, s2  }
0x8d: {  	s2 =	sadd.s32 s2, s17  }
0x8e: {  	[smem:$0x3FC2] =	sst s2  }
0x8f: {  	_ = 	snop  }
0x90: {  	s2 =	sld [smem:$0x3FD0];
	(tm) =	ssettm $0x1  }
0x91: {  	s18 =	sld [smem:$0x3FFB];
	_ =	sdelay $0x3  }
0x92: {  	_ =	strace s18  }
0x93: {  	s3 =	sld [smem:$0x3FFC];
	_ =	sdelay $0x3  }
0x94: {  	_ =	strace s3  }
0x95: {  	s3 =	sld [smem:$0x3FFD];
	_ =	sdelay $0x3  }
0x96: {  	_ =	strace s3  }
0x97: {  	_ =	strace $0x8FFFFFFF  }
0x98: {  	s19 =	sld [smem:$0x3FDB];
	_ =	sdelay $0x1  }
0x99: {  	s4 =	simm.s32 $_scs_section_size  }
0x9a: {  	s5 =	simm.s32 $_size__tile_overlayer_lowered;
	s6 =	simm.s32 $_tile_overlayer_lowered  }
0x9b: {  	s22 =	simm.s32 $0x1BFF;
	s21 =	sshll.u32 s6, $0x1;
	s3 =	sadd.s32 s4, s19  }
0x9c: {  	s7 =	simm.s32 $0x0;
	s20 =	sshll.u32 s5, $0x1;
	s5 =	sadd.s32 s21, s3  }
0x9d: {  	[timem:s7], [sflag:s22] =	dma.local [hbm:s5], s20  }
0x9e: {  	_ =	swait.ge [sflag:s22], s20  }
0x9f: {  	s4 =	ssub.s32 $0x0, s20;
	[sflag:s22] =	ssyncset.done $0x0  }
0xa0: {  	[sflag:s22] =	ssyncadd.s32 s4;
	_ =	sdelay $0x1  }
0xa1: {  	s23 =	simm.s32 $0x1B8B  }
0xa2: {  	_ =	swait.ge [sflag:s23], $0x1  }
0xa3: {  	[sflag:s23] =	ssyncset.done $0x0  }
0xa4: {  	s25 =	simm.s32 $0x1B8E;
	s24 =	sld [smem:$0x3FFE];
	[sflag:s23] =	ssyncadd.s32 $0xFFFFFFFF  }
0xa5: {  	s26 =	simm.s32 $execute0_lowered;
	[smem:$0x3FD2] =	sst s25  }
0xa6: {  	s5 =	sshll.u32 s26, $0x1;
	_ =	strace $0x80000046;
	[dreg:$0x1] =	wrdreg $0xFFFFFFFF  }
0xa7: {  	s28 =	simm.s32 $_size_execute0_lowered;
	s3 =	sadd.s32 s3, s5;
	[dreg:$0x0] =	wrdreg $0x0  }
0xa8: {  	s5 =	sshll.u32 s28, $0x1;
	[dreg:$0x2] =	wrdreg s3  }
0xa9: {  	[dreg:$0x3] =	wrdreg s5  }
0xaa: {  	[dreg:$0x4] =	wrdreg $0xC0  }
0xab: {  	_ =	task [dreg:s7], $0x5FFFF  }
0xac: {  	[dreg:$0x1] =	wrdreg $0xFFFFFFFF  }
0xad: {  	[dreg:$0x0] =	wrdreg $0x60  }
0xae: {  	[dreg:$0x2] =	wrdreg s24  }
0xaf: {  	[dreg:$0x3] =	wrdreg s2  }
0xb0: {  	[dreg:$0x4] =	wrdreg $0x0  }
0xb1: {  	[dreg:$0x5] =	wrdreg $0x9  }
0xb2: {  	_ =	task.clear_ibuf [dreg:s7], $0x6FFFF;
	_ =	strace $0x90000046  }
0xb3: {  	s29 =	simm.s32 $0x9;
	_ =	strace $0x80000048  }
0xb4: {  	_ =	swait.ge [sflag:s29], $0x1  }
0xb5: {  	[sflag:s29] =	ssyncadd.s32 $0xFFFFFFFF  }
0xb6: {  	_ =	strace $0x90000048  }
0xb7: {  	_ =	sfence  }
0xb8: {  	s30 =	sld [smem:$0x0];
	_ =	sdelay $0x2  }
0xb9: {  	s31 =	sshll.u32 s1, $0xD;
	s1 =	sshrl.u32 s1, $0x2  }
0xba: {  	s3 =	sand.u32 $0x4000, s31;
	s1 =	sadd.s32 s1, s30  }
0xbb: {  	s0 =	sor.u32 s3, s0;
	s1 =	sshll.u32 s1, $0x11  }
0xbc: {  	s0 =	sor.u32 s1, s0  }
0xbd: {  	s0 =	sadd.s32 $0x8F2B, s0  }
0xbe: {  	[sflag:s0] =	ssyncadd.remote.s32 $0x1  }
0xbf: {  	_ =	sfence.sel $0xFFFF  }
0xc0: {  	[dreg:$0x0] =	wrdreg $0xFFFFFFFF;
	(pc) =	sbr.abs _section_cstart, $3  }
0xc1: {  	[dreg:$0x1] =	wrdreg $0xFFFFFFFF  }
0xc2: {  	_ =	task.clear_ibuf [dreg:s7], $0x2FFFF;
	_ =	strace $0x9FFFFFFF  }
0xc3: {  	(tm) =	ssettm $0x7FFFFFFF  }
tec
execute0_lowered:
.L_overlay_start_1:
0x0: {  	(tag) =	ssettag $0x1  }
0x1: {  	s6 =	rddreg [dreg:$0x0]  }
0x2: {  	s1 =	rddreg [dreg:$0x1]  }
0x3: {  	s2 =	rddreg [dreg:$0x2]  }
0x4: {  	s0 =	rddreg [dreg:$0x3];
	s3 =	simm.s32 $0x0;
	s4 =	srdreg.scid  }
0x5: {  	s9 =	stileid.u32;
	s11 =	simm.s32 $0x80;
	s12 =	simm.s32 $0x3  }
0x6: {  	s13 =	simm.s32 $0x4;
	s14 =	simm.s32 $0x0;
	[smem:$0x7FF] =	sst s3  }
0x7: {  	s5 =	sand.u32 $0x1, s4;
	s8 =	sshll.u32 s9, $0x1;
	s4 =	sadd.s32 $0xA00, s6  }
0x8: {  	s6 =	sadd.s32 $0x1A00, s6;
	p0 =	sne.s32 s9, $0x0;
	s7 =	ssub.s32 $0x2, s5  }
0x9: {  	_ =	strace $0x80000047;
	s5 =	sor.u32 s5, s8;
	s10 =	sshrl.u32 s7, $0x1  }
0xa: {  	s9 =	sshrl.u32 @!p0 s2, $0x3;
	s31 =	ssub.s32 $0x501, s5;
	s30 =	ssub.s32 s7, s10  }
0xb: {  	s7 =	sshrl.u32 s31, $0x5;
	s10 =	simm.s32 $0x2;
	s8 =	smax.u32 s30, $0x1  }
.LBB2_1:
0xc: {  	s15 =	simm.s32 @!p0 $0x1C01  }
0xd: {  	[spmem:s9], [sflag:s15] =	dma.local @!p0 [hbm:s4], $0x1000  }
0xe: {  	s15 =	simm.s32 @!p0 $0x1  }
0xf: {  	_ =	swait.ge @!p0 [sflag:s15], $0x1000  }
0x10: {  	[sflag:s15] =	ssyncset.done @!p0 $0x0  }
0x11: {  	[sflag:s15] =	ssyncadd.s32 @!p0 $0xFFFFF000  }
0x12: {  	p1 =	por $0x0, $0x0;
	s15 =	simm.s32 $0x0;
	[bflag:$0x0] =	sbarrier.arrive $0xFFFF  }
.LBB2_2:
0x13: {  	s16 =	sshll.u32 s15, $0x5  }
0x14: {  	s16 =	sor.u32 s5, s16  }
0x15: {  	s19 =	smul.u32 $0x280, s16  }
0x16: {  	p2 =	sne.s32 s15, $0x0  }
0x17: {  	s17 =	sshrl.u32 @!p2 s19, $0x3  }
0x18: {  	s18 =	simm.s32 @!p2 $0x0;
	s20 =	simm.s32 @!p2 $0x800;
	s17 =	sadd.s32 @!p2 s6, s17  }
0x19: {  	[tilespmem:s20], [sflag:$0x2] =	stream.linear.gather @!p2 [hbm4b:s17+s18], $0x280, $0x38;
	[tilespmem:$0x15C00] =	vst v63  }
0x1a: {  	s21 =	simm.s32 @!p2 $0xA80;
	s20 =	sadd.s32 @!p2 $0x186A0, s17  }
0x1b: {  	[tilespmem:s21], [sflag:$0x2] =	stream.linear.gather @!p2 [hbm4b:s20+s18], $0x280, $0x38;
	[tilespmem:$0x15C00] =	vst v63  }
0x1c: {  	s17 =	sadd.s32 @!p2 $0x30D40, s17;
	s20 =	simm.s32 @!p2 $0xD00  }
0x1d: {  	[tilespmem:s20], [sflag:$0x2] =	stream.linear.gather @!p2 [hbm4b:s17+s18], $0x280, $0x38;
	[tilespmem:$0x15C00] =	vst v63  }
0x1e: {  	_ =	swait.ge [sflag:s10], $0x280  }
0x1f: {  	[sflag:s10] =	ssyncset.done $0x0  }
0x20: {  	s17 =	sadd.s32 $0x1, s15;
	[sflag:s10] =	ssyncadd.s32 $0xFFFFFD80  }
0x21: {  	s18 =	sand.u32 $0x1, s15;
	p2 =	sge.u32 s17, s7;
	_ =	swait.ge [sflag:s10], $0x280  }
0x22: {  	s20 =	sxor.u32 @!p2 $0x1, s18;
	[sflag:s10] =	ssyncset.done $0x0  }
0x23: {  	s20 =	smul.u32 @!p2 $0x1E00, s20;
	[sflag:s10] =	ssyncadd.s32 $0xFFFFFD80  }
0x24: {  	s21 =	sadd.s32 @!p2 $0x5000, s19;
	s23 =	simm.s32 @!p2 $0x0;
	_ =	swait.ge [sflag:s10], $0x280  }
0x25: {  	s21 =	sshrl.u32 @!p2 s21, $0x3;
	s20 =	sshrl.u32 @!p2 s20, $0x2;
	[sflag:s10] =	ssyncset.done $0x0  }
0x26: {  	s21 =	sadd.s32 @!p2 s6, s21;
	s22 =	sor.u32 @!p2 $0x800, s20;
	[sflag:s10] =	ssyncadd.s32 $0xFFFFFD80  }
0x27: {  	[tilespmem:s22], [sflag:$0x2] =	stream.linear.gather @!p2 [hbm4b:s21+s23], $0x280, $0x38;
	[tilespmem:$0x15C00] =	vst v63  }
0x28: {  	s21 =	simm.s32 $0x1;
	s22 =	sadd.s32 @!p2 $0xC8500, s19  }
0x29: {  	s25 =	sadd.s32 @!p2 $0xA80, s20;
	s21 =	simm.s32 @!p1 $0x0;
	s22 =	sshrl.u32 @!p2 s22, $0x3  }
0x2a: {  	s19 =	sadd.s32 @!p2 $0x18BA00, s19;
	s24 =	smul.u32 $0x1E00, s21;
	s22 =	sadd.s32 @!p2 s6, s22  }
0x2b: {  	[tilespmem:s25], [sflag:$0x2] =	stream.linear.gather @!p2 [hbm4b:s22+s23], $0x280, $0x38;
	[tilespmem:$0x15C00] =	vst v63  }
0x2c: {  	s29 =	sshrl.u32 s24, $0x2;
	s24 =	sshrl.u32 @!p2 s19, $0x3  }
0x2d: {  	s20 =	sadd.s32 @!p2 $0xD00, s20;
	s19 =	sadd.s32 $0xAC0, s29;
	s22 =	sadd.s32 @!p2 s6, s24  }
0x2e: {  	[tilespmem:s20], [sflag:$0x2] =	stream.linear.gather @!p2 [hbm4b:s22+s23], $0x280, $0x38;
	[tilespmem:$0x15C00] =	vst v63  }
0x2f: {  	v0 =	vld [tilespmem:s19+$0xFFFFFFC0]  }
0x30: {  	v1 =	vld [tilespmem:s19+$0xFFFFFD40];
	_ =	sdelay $0x1  }
0x31: {  	v2 =	vld [tilespmem:s19+$0x240];
	_ =	sdelay $0x1  }
0x32: {  	s30 =	smul.u32 $0xA00, s21  }
0x33: {  	v0 =	vshll.u32 v0, $0x1;
	v1 =	vshll.u32 v1, $0x4  }
0x34: {  	s20 =	sshrl.u32 s30, $0x2;
	v0 =	vadd.s32 v1, v0  }
0x35: {  	s20 =	sadd.s32 $0x1740, s20;
	v0 =	vadd.s32 v2, v0  }
0x36: {  	[tilespmem:s20+$0xFFFFFFC0] =	vst v0  }
0x37: {  	v0 =	vld [tilespmem:s19+$0xFFFFFD50]  }
0x38: {  	v1 =	vld [tilespmem:s19+$0xFFFFFFD0];
	_ =	sdelay $0x1  }
0x39: {  	v2 =	vld [tilespmem:s19+$0x250];
	_ =	sdelay $0x2  }
0x3a: {  	v0 =	vshll.u32 v0, $0x4;
	v1 =	vshll.u32 v1, $0x1  }
0x3b: {  	v0 =	vadd.s32 v0, v1  }
0x3c: {  	v0 =	vadd.s32 v2, v0  }
0x3d: {  	[tilespmem:s20+$0xFFFFFFD0] =	vst v0  }
0x3e: {  	v0 =	vld [tilespmem:s19+$0xFFFFFD60]  }
0x3f: {  	v1 =	vld [tilespmem:s19+$0xFFFFFFE0];
	_ =	sdelay $0x1  }
0x40: {  	v2 =	vld [tilespmem:s19+$0x260];
	_ =	sdelay $0x2  }
0x41: {  	v0 =	vshll.u32 v0, $0x4;
	v1 =	vshll.u32 v1, $0x1  }
0x42: {  	v0 =	vadd.s32 v0, v1  }
0x43: {  	v0 =	vadd.s32 v2, v0  }
0x44: {  	[tilespmem:s20+$0xFFFFFFE0] =	vst v0  }
0x45: {  	v0 =	vld [tilespmem:s19+$0xFFFFFD70]  }
0x46: {  	v1 =	vld [tilespmem:s19+$0xFFFFFFF0];
	_ =	sdelay $0x1  }
0x47: {  	v2 =	vld [tilespmem:s19+$0x270];
	_ =	sdelay $0x2  }
0x48: {  	v0 =	vshll.u32 v0, $0x4;
	v1 =	vshll.u32 v1, $0x1  }
0x49: {  	v0 =	vadd.s32 v0, v1  }
0x4a: {  	v0 =	vadd.s32 v2, v0  }
0x4b: {  	[tilespmem:s20+$0xFFFFFFF0] =	vst v0  }
0x4c: {  	v0 =	vld [tilespmem:s19+$0x0]  }
0x4d: {  	v1 =	vld [tilespmem:s19+$0xFFFFFD80];
	_ =	sdelay $0x1  }
0x4e: {  	v2 =	vld [tilespmem:s19+$0x280];
	_ =	sdelay $0x2  }
0x4f: {  	v1 =	vshll.u32 v1, $0x4;
	v0 =	vshll.u32 v0, $0x1  }
0x50: {  	v0 =	vadd.s32 v1, v0  }
0x51: {  	v0 =	vadd.s32 v2, v0  }
0x52: {  	[tilespmem:s20+$0x0] =	vst v0  }
0x53: {  	v0 =	vld [tilespmem:s19+$0xFFFFFD90]  }
0x54: {  	v1 =	vld [tilespmem:s19+$0x10];
	_ =	sdelay $0x1  }
0x55: {  	v2 =	vld [tilespmem:s19+$0x290];
	_ =	sdelay $0x2  }
0x56: {  	v0 =	vshll.u32 v0, $0x4;
	v1 =	vshll.u32 v1, $0x1  }
0x57: {  	v0 =	vadd.s32 v0, v1  }
0x58: {  	v0 =	vadd.s32 v2, v0  }
0x59: {  	[tilespmem:s20+$0x10] =	vst v0  }
0x5a: {  	v0 =	vld [tilespmem:s19+$0xFFFFFDA0]  }
0x5b: {  	v1 =	vld [tilespmem:s19+$0x20];
	_ =	sdelay $0x1  }
0x5c: {  	v2 =	vld [tilespmem:s19+$0x2A0];
	_ =	sdelay $0x2  }
0x5d: {  	v0 =	vshll.u32 v0, $0x4;
	v1 =	vshll.u32 v1, $0x1  }
0x5e: {  	s31 =	smul.u32 $0xA00, s18;
	v0 =	vadd.s32 v0, v1  }
0x5f: {  	v0 =	vadd.s32 v2, v0  }
0x60: {  	s21 =	sshrl.u32 s31, $0x2;
	s24 =	simm.s32 $0x0;
	[tilespmem:s20+$0x20] =	vst v0  }
0x61: {  	s22 =	sadd.s32 $0x1700, s21;
	s25 =	smov.u32 s19;
	s23 =	smov.u32 s20;
	v0 =	vld [tilespmem:s19+$0xFFFFFDB0]  }
.LBB2_3:
0x62: {  	s24 =	sadd.s32 $0x8, s24;
	v1 =	vld [tilespmem:s19+$0x30];
	s20 =	sadd.s32 $0x80, s20;
	s25 =	sadd.s32 $0x80, s25  }
0x63: {  	p2 =	slt.u32 s24, $0x20;
	v2 =	vld [tilespmem:s19+$0x2B0];
	s19 =	smov.u32 s25;
	_ =	sdelay $0x3  }
0x64: {  	v0 =	vshll.u32 v0, $0x4;
	v1 =	vshll.u32 v1, $0x1  }
0x65: {  	v0 =	vadd.s32 v0, v1  }
0x66: {  	v0 =	vadd.s32 v2, v0  }
0x67: {  	[tilespmem:s23+$0x30] =	vst v0;
	s23 =	smov.u32 s20  }
0x68: {  	v0 =	vld [tilespmem:s25+$0xFFFFFFC0]  }
0x69: {  	v1 =	vld [tilespmem:s25+$0xFFFFFD40]  }
0x6a: {  	v2 =	vld [tilespmem:s25+$0x240];
	_ =	sdelay $0x2  }
0x6b: {  	v0 =	vshll.u32 v0, $0x1  }
0x6c: {  	v1 =	vshll.u32 v1, $0x4  }
0x6d: {  	v0 =	vadd.s32 v1, v0  }
0x6e: {  	v0 =	vadd.s32 v2, v0  }
0x6f: {  	[tilespmem:s20+$0xFFFFFFC0] =	vst v0  }
0x70: {  	v0 =	vld [tilespmem:s25+$0xFFFFFD50]  }
0x71: {  	v1 =	vld [tilespmem:s25+$0xFFFFFFD0];
	_ =	sdelay $0x1  }
0x72: {  	v2 =	vld [tilespmem:s25+$0x250];
	_ =	sdelay $0x2  }
0x73: {  	v0 =	vshll.u32 v0, $0x4;
	v1 =	vshll.u32 v1, $0x1  }
0x74: {  	v0 =	vadd.s32 v0, v1  }
0x75: {  	v0 =	vadd.s32 v2, v0  }
0x76: {  	[tilespmem:s20+$0xFFFFFFD0] =	vst v0  }
0x77: {  	v0 =	vld [tilespmem:s25+$0xFFFFFD60]  }
0x78: {  	v1 =	vld [tilespmem:s25+$0xFFFFFFE0];
	_ =	sdelay $0x1  }
0x79: {  	v2 =	vld [tilespmem:s25+$0x260];
	_ =	sdelay $0x2  }
0x7a: {  	v0 =	vshll.u32 v0, $0x4;
	v1 =	vshll.u32 v1, $0x1  }
0x7b: {  	v0 =	vadd.s32 v0, v1  }
0x7c: {  	v0 =	vadd.s32 v2, v0  }
0x7d: {  	[tilespmem:s20+$0xFFFFFFE0] =	vst v0  }
0x7e: {  	v0 =	vld [tilespmem:s25+$0xFFFFFD70]  }
0x7f: {  	v1 =	vld [tilespmem:s25+$0xFFFFFFF0];
	_ =	sdelay $0x1  }
0x80: {  	v2 =	vld [tilespmem:s25+$0x270];
	_ =	sdelay $0x1  }
0x81: {  	v0 =	vshll.u32 v0, $0x4  }
0x82: {  	v1 =	vshll.u32 v1, $0x1  }
0x83: {  	v0 =	vadd.s32 v0, v1  }
0x84: {  	v0 =	vadd.s32 v2, v0  }
0x85: {  	[tilespmem:s20+$0xFFFFFFF0] =	vst v0  }
0x86: {  	v0 =	vld [tilespmem:s25+$0x0]  }
0x87: {  	v1 =	vld [tilespmem:s25+$0xFFFFFD80]  }
0x88: {  	v2 =	vld [tilespmem:s25+$0x280];
	_ =	sdelay $0x3  }
0x89: {  	v0 =	vshll.u32 v0, $0x1;
	v1 =	vshll.u32 v1, $0x4  }
0x8a: {  	v0 =	vadd.s32 v1, v0  }
0x8b: {  	v0 =	vadd.s32 v2, v0  }
0x8c: {  	[tilespmem:s20+$0x0] =	vst v0  }
0x8d: {  	v0 =	vld [tilespmem:s25+$0xFFFFFD90]  }
0x8e: {  	v1 =	vld [tilespmem:s25+$0x10]  }
0x8f: {  	v2 =	vld [tilespmem:s25+$0x290];
	_ =	sdelay $0x2  }
0x90: {  	v0 =	vshll.u32 v0, $0x4  }
0x91: {  	v1 =	vshll.u32 v1, $0x1  }
0x92: {  	v0 =	vadd.s32 v0, v1  }
0x93: {  	v0 =	vadd.s32 v2, v0  }
0x94: {  	[tilespmem:s20+$0x10] =	vst v0  }
0x95: {  	v0 =	vld [tilespmem:s25+$0xFFFFFDA0]  }
0x96: {  	v1 =	vld [tilespmem:s25+$0x20]  }
0x97: {  	v2 =	vld [tilespmem:s25+$0x2A0];
	_ =	sdelay $0x2  }
0x98: {  	v0 =	vshll.u32 v0, $0x4  }
.Ltmp0:
0x99: {  	v1 =	vshll.u32 v1, $0x1;
	(pc) =	sbr.rel @p2 .LBB2_3-.Ltmp0, $4  }
0x9a: {  	v0 =	vadd.s32 v0, v1  }
0x9b: {  	v0 =	vadd.s32 v2, v0  }
0x9c: {  	[tilespmem:s20+$0x20] =	vst v0  }
0x9d: {  	v0 =	vld [tilespmem:s25+$0xFFFFFDB0]  }
0x9e: {  	v1 =	vld [tilespmem:s19+$0x30];
	_ =	sdelay $0x1  }
0x9f: {  	v2 =	vld [tilespmem:s19+$0x2B0];
	_ =	sdelay $0x2  }
0xa0: {  	s18 =	smul.u32 $0x28000, s18;
	v0 =	vshll.u32 v0, $0x4;
	v1 =	vshll.u32 v1, $0x1  }
0xa1: {  	v0 =	vadd.s32 v0, v1  }
0xa2: {  	s18 =	sshrl.u32 s18, $0x2;
	v0 =	vadd.s32 v2, v0  }
0xa3: {  	[tilespmem:s23+$0x30] =	vst v0;
	s23 =	sor.u32 $0x1C00, s18  }
0xa4: {  	[tilespmem:s23], [sflag:$0x3] =	stream.indirect.gather [spmem:s2], $0x40, s22, s11, $0xb8;
	[tilespmem:$0x15C00] =	vst v63  }
0xa5: {  	s24 =	sadd.s32 $0x1780, s21;
	s20 =	sadd.s32 $0x3C00, s18  }
0xa6: {  	[tilespmem:s20], [sflag:$0x3] =	stream.indirect.gather [spmem:s2], $0x40, s24, s11, $0xb8;
	[tilespmem:$0x15C00] =	vst v63  }
0xa7: {  	s26 =	sor.u32 $0x1800, s21;
	s25 =	sadd.s32 $0x5C00, s18  }
0xa8: {  	[tilespmem:s25], [sflag:$0x3] =	stream.indirect.gather [spmem:s2], $0x40, s26, s11, $0xb8;
	[tilespmem:$0x15C00] =	vst v63  }
0xa9: {  	s29 =	sadd.s32 $0x1880, s21;
	s28 =	sadd.s32 $0x7C00, s18  }
0xaa: {  	[tilespmem:s28], [sflag:$0x3] =	stream.indirect.gather [spmem:s2], $0x40, s29, s11, $0xb8;
	[tilespmem:$0x15C00] =	vst v63  }
0xab: {  	s30 =	sadd.s32 $0x1900, s21;
	s18 =	sadd.s32 $0x9C00, s18  }
0xac: {  	[tilespmem:s18], [sflag:$0x3] =	stream.indirect.gather [spmem:s2], $0x40, s30, s11, $0xb8;
	[tilespmem:$0x15C00] =	vst v63  }
0xad: {  	_ =	swait.ge [sflag:s12], $0x2000  }
0xae: {  	[sflag:s12] =	ssyncset.done $0x0  }
0xaf: {  	[sflag:s12] =	ssyncadd.s32 $0xFFFFE000  }
0xb0: {  	_ =	swait.ge [sflag:s12], $0x2000  }
0xb1: {  	[sflag:s12] =	ssyncset.done $0x0  }
0xb2: {  	[sflag:s12] =	ssyncadd.s32 $0xFFFFE000  }
0xb3: {  	_ =	swait.ge [sflag:s12], $0x2000  }
0xb4: {  	[sflag:s12] =	ssyncset.done $0x0  }
0xb5: {  	[sflag:s12] =	ssyncadd.s32 $0xFFFFE000  }
0xb6: {  	_ =	swait.ge [sflag:s12], $0x2000  }
0xb7: {  	[sflag:s12] =	ssyncset.done $0x0  }
0xb8: {  	[sflag:s12] =	ssyncadd.s32 $0xFFFFE000  }
0xb9: {  	_ =	swait.ge [sflag:s12], $0x2000  }
0xba: {  	p2 =	seq.s32 s15, $0x0;
	[sflag:s12] =	ssyncset.done $0x0  }
0xbb: {  	s15 =	simm.s32 @!p2 $0x4;
	[sflag:s12] =	ssyncadd.s32 $0xFFFFE000  }
0xbc: {  	_ =	swait.ge @!p2 [sflag:s15], $0xA000  }
0xbd: {  	[sflag:s15] =	ssyncset.done @!p2 $0x0  }
0xbe: {  	s16 =	smul.u32 $0xA000, s16;
	[sflag:s15] =	ssyncadd.s32 @!p2 $0xFFFF6000;
	p2 =	sne.s32 s17, s7  }
.Ltmp1:
0xbf: {  	_ = 	snop;
	(pc) =	sbr.rel @p2 .LBB2_2-.Ltmp1, $4  }
0xc0: {  	_ = 	snop  }
0xc1: {  	s16 =	sshrl.u32 s16, $0x3  }
0xc2: {  	p1 =	por !p1, !p1;
	s31 =	sadd.s32 s1, s16;
	s15 =	smov.u32 s17  }
0xc3: {  	[hbm4b:s31+s3] =	stream.linear.scatter [tilespmem:s23], [sflag:$0x4], $0xA000, $0x38;
	[tilespmem:$0x15C00] =	vst v63  }
0xc4: {  	s14 =	sadd.s32 $0x1, s14  }
0xc5: {  	p1 =	sne.s32 s14, s8  }
.Ltmp2:
0xc6: {  	_ = 	snop;
	(pc) =	sbr.rel @p1 .LBB2_1-.Ltmp2, $4  }
0xc7: {  	_ = 	snop  }
0xc8: {  	_ =	swait.ge [sflag:s13], $0xA000  }
0xc9: {  	[sflag:s13] =	ssyncset.done $0x0  }
0xca: {  	[sflag:s13] =	ssyncadd.s32 $0xFFFF6000  }
0xcb: {  	_ =	sfence.sel $0x180000  }
0xcc: {  	[bflag:$0x0] =	sbarrier.arrive $0xFFFF  }
0xcd: {  	_ =	strace $0x90000047  }
0xce: {  	s0 =	sadd.s32 @!p0 $0x100000, s0;
	[bflag:$0x2] =	sbarrier.arrive $0xFFFF  }
0xcf: {  	[sflag:s0] =	ssyncadd.tile.s32 @!p0 $0x1;
	_ =	shalt  }
.Lfunc_end2:
_tile_overlayer_lowered:
.L_overlay_start_2:
0xd0: {  	(tag) =	ssettag $0x2  }
0xd1: {  	s0 =	rddreg [dreg:$0x0];
	s2 =	stileid.u32  }
0xd2: {  	s1 =	rddreg [dreg:$0x1];
	p0 =	sne.s32 s2, $0x0  }
0xd3: {  	s3 =	rddreg [dreg:$0x2];
	[bflag:$0x3] =	sbarrier.arrive $0xFFFF;
	s2 =	simm.s32 @!p0 $0x1C05  }
0xd4: {  	[timem:s3], [sflag:s2] =	dma.local @!p0 [hbm:s0], s1  }
0xd5: {  	s0 =	simm.s32 @!p0 $0x5  }
0xd6: {  	_ =	swait.ge @!p0 [sflag:s0], s1  }
0xd7: {  	s1 =	ssub.s32 @!p0 $0x0, s1;
	[sflag:s0] =	ssyncset.done @!p0 $0x0  }
0xd8: {  	[sflag:s0] =	ssyncadd.s32 @!p0 s1  }
0xd9: {  	[bflag:$0x3] =	sbarrier.arrive $0xFFFF  }
0xda: {  	_ =	shalt  }

// kernel: sparse-core-data-format-call.cloned.1.call-start
scs
called_computation_lowered:
.L_overlay_start_0:
0x0: {  	s2 =	sld [smem:$0x3FD9]  }
0x1: {  	s3 =	sld [smem:$0x3FFE];
	_ =	sdelay $0x1  }
0x2: {  	s1 =	srdreg.scid  }
0x3: {  	s0 =	sand.u32 $0x1, s1  }
0x4: {  	s18 =	sshll.u32 s0, $0xA;
	s2 =	sadd.s32 s3, s2  }
0x5: {  	s2 =	sadd.s32 s2, s18  }
0x6: {  	[smem:$0x3FC2] =	sst s2  }
0x7: {  	_ = 	snop  }
0x8: {  	s2 =	sld [smem:$0x3FD0];
	(tm) =	ssettm $0x1  }
0x9: {  	s19 =	sld [smem:$0x3FFB];
	_ =	sdelay $0x3  }
0xa: {  	_ =	strace s19  }
0xb: {  	s3 =	sld [smem:$0x3FFC];
	_ =	sdelay $0x3  }
0xc: {  	_ =	strace s3  }
0xd: {  	s3 =	sld [smem:$0x3FFD];
	_ =	sdelay $0x3  }
0xe: {  	_ =	strace s3  }
0xf: {  	_ =	strace $0x8FFFFFFF  }
0x10: {  	s20 =	sld [smem:$0x3FDB];
	_ =	sdelay $0x1  }
0x11: {  	s4 =	simm.s32 $_scs_section_size  }
0x12: {  	s5 =	simm.s32 $_size__tile_overlayer_lowered;
	s6 =	simm.s32 $_tile_overlayer_lowered  }
0x13: {  	s23 =	simm.s32 $0x1BFF;
	s22 =	sshll.u32 s6, $0x1;
	s3 =	sadd.s32 s4, s20  }
0x14: {  	s7 =	simm.s32 $0x0;
	s21 =	sshll.u32 s5, $0x1;
	s5 =	sadd.s32 s22, s3  }
0x15: {  	[timem:s7], [sflag:s23] =	dma.local [hbm:s5], s21  }
0x16: {  	_ =	swait.ge [sflag:s23], s21  }
0x17: {  	s4 =	ssub.s32 $0x0, s21;
	[sflag:s23] =	ssyncset.done $0x0  }
0x18: {  	[sflag:s23] =	ssyncadd.s32 s4;
	_ =	sdelay $0x1  }
0x19: {  	s24 =	simm.s32 $0x1B8B  }
0x1a: {  	_ =	swait.ge [sflag:s24], $0x1  }
0x1b: {  	[sflag:s24] =	ssyncset.done $0x0  }
0x1c: {  	s26 =	simm.s32 $0x1B8E;
	s25 =	sld [smem:$0x3FFE];
	[sflag:s24] =	ssyncadd.s32 $0xFFFFFFFF  }
0x1d: {  	s27 =	simm.s32 $execute0_lowered;
	[smem:$0x3FD2] =	sst s26  }
0x1e: {  	s5 =	sshll.u32 s27, $0x1;
	_ =	strace $0x80000049;
	[dreg:$0x1] =	wrdreg $0xFFFFFFFF  }
0x1f: {  	s28 =	simm.s32 $_size_execute0_lowered;
	s3 =	sadd.s32 s3, s5;
	[dreg:$0x0] =	wrdreg $0x0  }
0x20: {  	s5 =	sshll.u32 s28, $0x1;
	[dreg:$0x2] =	wrdreg s3  }
0x21: {  	[dreg:$0x3] =	wrdreg s5  }
0x22: {  	[dreg:$0x4] =	wrdreg $0xC0  }
0x23: {  	_ =	task [dreg:s7], $0x5FFFF  }
0x24: {  	[dreg:$0x1] =	wrdreg $0xFFFFFFFF  }
0x25: {  	[dreg:$0x0] =	wrdreg $0x60  }
0x26: {  	[dreg:$0x2] =	wrdreg s25  }
0x27: {  	[dreg:$0x3] =	wrdreg s2  }
0x28: {  	[dreg:$0x4] =	wrdreg $0x9  }
0x29: {  	_ =	task.clear_ibuf [dreg:s7], $0x5FFFF;
	_ =	strace $0x90000049  }
0x2a: {  	s29 =	simm.s32 $0x9;
	_ =	strace $0x8000004B  }
0x2b: {  	_ =	swait.ge [sflag:s29], $0x1  }
0x2c: {  	[sflag:s29] =	ssyncadd.s32 $0xFFFFFFFF  }
0x2d: {  	_ =	strace $0x9000004B  }
0x2e: {  	_ =	sfence  }
0x2f: {  	s30 =	sld [smem:$0x0];
	_ =	sdelay $0x2  }
0x30: {  	s31 =	sshll.u32 s1, $0xD;
	s1 =	sshrl.u32 s1, $0x2  }
0x31: {  	s3 =	sand.u32 $0x4000, s31;
	s1 =	sadd.s32 s1, s30  }
0x32: {  	s0 =	sor.u32 s3, s0;
	s1 =	sshll.u32 s1, $0x11  }
0x33: {  	s0 =	sor.u32 s1, s0  }
0x34: {  	s0 =	sadd.s32 $0x8F2B, s0  }
0x35: {  	[sflag:s0] =	ssyncadd.remote.s32 $0x1  }
0x36: {  	_ =	sfence.sel $0xFFFF  }
0x37: {  	[dreg:$0x0] =	wrdreg $0xFFFFFFFF;
	(pc) =	sbr.abs _section_cstart, $3  }
0x38: {  	[dreg:$0x1] =	wrdreg $0xFFFFFFFF  }
0x39: {  	_ =	task.clear_ibuf [dreg:s7], $0x2FFFF;
	_ =	strace $0x9FFFFFFF  }
0x3a: {  	(tm) =	ssettm $0x7FFFFFFF  }
0x3b: {  	_ =	shalt  }
tec
execute0_lowered:
.L_overlay_start_1:
0x0: {  	(tag) =	ssettag $0x1  }
0x1: {  	s0 =	srdreg.scid  }
0x2: {  	s1 =	sshll.u32 s0, $0x4  }
0x3: {  	s4 =	rddreg [dreg:$0x0];
	s0 =	stileid.u32;
	s1 =	sand.u32 $0x10, s1  }
0x4: {  	s2 =	rddreg [dreg:$0x1];
	s7 =	simm.s32 $0x1;
	s1 =	sor.u32 s0, s1  }
0x5: {  	s8 =	simm.s32 $0x2;
	s11 =	simm.s32 $0x0;
	s3 =	sshll.u32 s1, $0x7  }
0x6: {  	s10 =	simm.s32 $0x0;
	s4 =	sadd.s32 $0xA00, s4;
	s6 =	ssub.s32 $0xC3500, s3  }
.Ltmp0:
0x7: {  	s1 =	rddreg [dreg:$0x2];
	s5 =	sand.u32 $0xF80, s6;
	(pc) =	sbr.rel .LBB1_1-.Ltmp0, $4  }
0x8: {  	_ =	strace $0x8000004A;
	s9 =	smov.u32 s3;
	p0 =	sne.s32 s5, $0x0  }
0x9: {  	s6 =	sshrl.u32 s6, $0xC;
	s5 =	simm.s32 $0x1;
	s7 =	simm.s32 @!p0 $0x0  }
0xa: {  	[sflag:s5] =	ssyncpa.u1 $0x0;
	p0 =	por $0x0, $0x0;
	s6 =	sadd.s32 s7, s6  }
0xb: {  	[sflag:s8] =	ssyncpa.u1 $0x0;
	s8 =	simm.s32 $0x61A800;
	s7 =	sadd.s32 $0x1, s6  }
.LBB1_4:
0xc: {  	s14 =	sshll.u32 s11, $0x3  }
0xd: {  	s14 =	sand.u32 $0xFFFFFC00, s14  }
0xe: {  	s15 =	sshrl.u32 s14, $0x8  }
0xf: {  	s15 =	smulhi.u32 $0x14F8B59, s15;
	_ =	sdelay $0x1  }
0x10: {  	s15 =	sshrl.u32 s15, $0x4  }
0x11: {  	s28 =	sand.u32 $0x7F, s11;
	s16 =	smul.u32 $0xC3500, s15  }
0x12: {  	s11 =	sor.u32 s28, s14  }
0x13: {  	s29 =	sand.u32 $0x3F, s15;
	s11 =	ssub.s32 s11, s16  }
0x14: {  	[tilespmem:s13+$0x810 ss:$0x81] =	vst.msk $0xffff, v2;
	s14 =	smul.u32 $0x186A0, s29;
	s30 =	sshrl.u32 s11, $0x3;
	s11 =	sand.u32 $0x7, s11  }
0x15: {  	[tilespmem:s13+$0x1020 ss:$0x81] =	vst.msk $0xffff, v0;
	s15 =	sadd.s32 s2, s30;
	s11 =	sshll.u32 s11, $0x12  }
0x16: {  	[tilespmem:s13+$0x0 ss:$0x81] =	vst.msk $0xffff, v1;
	s31 =	sadd.s32 s14, s15;
	s11 =	sor.u32 $0x400, s11  }
0x17: {  	[hbm4b:s31+s11] =	stream.strided.scatter [tilespmem:s12], [sflag:$0x2], $0x2000, s8, s11, $0x20;
	[tilespmem:$0x8080] =	vst v63  }
.LBB1_5:
0x18: {  	s13 =	sadd.s32 $0x1000, s9  }
0x19: {  	p2 =	sgt.s32 s13, $0xC34FF  }
0x1a: {  	s13 =	smov.u32 @p2 s3;
	p2 =	sne.s32 s10, s7  }
.Ltmp1:
0x1b: {  	p1 =	slt.u32 s10, $0x2;
	(pc) =	sbr.rel @!p2 .LBB1_6-.Ltmp1, $4  }
0x1c: {  	s12 =	simm.s32 @!p1 $0x2  }
0x1d: {  	s14 =	sadd.s32 $0x1, s10;
	_ =	swait.ge @!p1 [sflag:s12], $0x2000  }
0x1e: {  	s11 =	smov.u32 s9;
	p0 =	por !p0, !p0;
	[sflag:s12] =	ssyncset.done @!p1 $0x0  }
0x1f: {  	s10 =	smov.u32 s14;
	s9 =	smov.u32 s13;
	[sflag:s12] =	ssyncadd.s32 @!p1 $0xFFFFE000  }
.LBB1_1:
0x20: {  	p1 =	sge.u32 s10, s6  }
0x21: {  	s12 =	sand.u32 @!p1 $0x1FFFFFF, s9  }
0x22: {  	s13 =	smulhi.u32 @!p1 $0x14F8B59, s12;
	_ =	sdelay $0x1  }
0x23: {  	s13 =	sshrl.u32 @!p1 s13, $0xC  }
0x24: {  	s13 =	smul.u32 @!p1 $0xC3500, s13;
	_ =	sdelay $0x1  }
0x25: {  	s31 =	sadd.s32 $0xFFFFFFFF, s10;
	s14 =	sxor.u32 @!p1 $0xFFFFFFFF, s10;
	s12 =	ssub.s32 @!p1 s12, s13  }
0x26: {  	s15 =	simm.s32 @!p1 $0x80;
	s14 =	sshll.u32 @!p1 s14, $0xD;
	s12 =	sshll.u32 @!p1 s12, $0x4  }
0x27: {  	s13 =	sand.u32 @!p1 $0x2000, s14;
	s14 =	simm.s32 @!p1 $0x40;
	s12 =	sadd.s32 @!p1 s4, s12  }
0x28: {  	[tilespmem:s13], [sflag:$0x1] =	stream.strided.gather @!p1 [hbm4b:s12+s14], $0x2000, s15, s14, $0x38;
	[tilespmem:$0x8080] =	vst v63  }
0x29: {  	p1 =	sge.u32 s31, s6  }
.Ltmp2:
0x2a: {  	_ = 	snop;
	(pc) =	sbr.rel @p1 .LBB1_5-.Ltmp2, $1  }
0x2b: {  	_ =	sdelay $0x3  }
0x2c: {  	s12 =	simm.s32 $0x1  }
0x2d: {  	_ =	swait.ge [sflag:s5], $0x2000;
	s12 =	simm.s32 @!p0 $0x0  }
0x2e: {  	[sflag:s5] =	ssyncset.done $0x0;
	s13 =	sshll.u32 s12, $0xD  }
0x2f: {  	[sflag:s5] =	ssyncadd.s32 $0xFFFFE000;
	s16 =	sor.u32 $0x20, s13  }
0x30: {  	s12 =	smul.u32 $0x8100, s12;
	v3 =	vld [tilespmem:s16+$0x10]  }
0x31: {  	s30 =	sand.u32 $0x1, s10;
	v2 =	vld [tilespmem:s16+$0xFFFFFFF0]  }
0x32: {  	s13 =	smul.u32 $0x8100, s30;
	s12 =	sshrl.u32 s12, $0x2;
	v0 =	vld [tilespmem:s16+$0x0]  }
0x33: {  	v1 =	vld [tilespmem:s16+$0xFFFFFFE0];
	s14 =	sor.u32 $0x4000, s12  }
0x34: {  	s31 =	sshrl.u32 s13, $0x2;
	s13 =	sadd.s32 $0x0, s14  }
0x35: {  	s15 =	simm.s32 $0x4;
	s16 =	sadd.s32 $0x40, s16;
	s12 =	sor.u32 $0x4000, s31;
	[tilespmem:s13+$0x1830 ss:$0x81] =	vst.msk $0xffff, v3  }
.LBB1_3:
0x36: {  	v3 =	vld [tilespmem:s16+$0x10];
	p1 =	sne.s32 s15, $0x1FC;
	[tilespmem:s13+$0x810 ss:$0x81] =	vst.msk $0xffff, v2;
	s17 =	smov.u32 s15;
	s15 =	sadd.s32 $0x4, s15  }
.Ltmp3:
0x37: {  	v2 =	vld [tilespmem:s16+$0xFFFFFFF0];
	[tilespmem:s13+$0x1020 ss:$0x81] =	vst.msk $0xffff, v0;
	(pc) =	sbr.rel @p1 .LBB1_3-.Ltmp3, $4  }
0x38: {  	v0 =	vld [tilespmem:s16+$0x0];
	[tilespmem:s13+$0x0 ss:$0x81] =	vst.msk $0xffff, v1  }
0x39: {  	s13 =	sshra.s32 s17, $0x2;
	v1 =	vld [tilespmem:s16+$0xFFFFFFE0]  }
0x3a: {  	s13 =	sadd.s32 s13, s14  }
0x3b: {  	s16 =	sadd.s32 $0x40, s16;
	[tilespmem:s13+$0x1830 ss:$0x81] =	vst.msk $0xffff, v3  }
.Ltmp4:
0x3c: {  	_ = 	snop;
	(pc) =	sbr.rel .LBB1_4-.Ltmp4, $1  }
0x3d: {  	_ =	sdelay $0x3  }
.LBB1_6:
0x3e: {  	_ =	sfence.sel $0x180000  }
0x3f: {  	s2 =	simm.s32 $0x1;
	[bflag:$0x0] =	sbarrier.arrive $0xFFFF  }
0x40: {  	s31 =	simm.s32 $0x2;
	[sflag:s2] =	ssyncpa.u1 $0x1  }
0x41: {  	[sflag:s31] =	ssyncpa.u1 $0x1  }
0x42: {  	p0 =	sne.s32 s0, $0x0;
	_ =	strace $0x9000004A  }
0x43: {  	s0 =	sadd.s32 @!p0 $0x100000, s1;
	[bflag:$0x2] =	sbarrier.arrive $0xFFFF  }
0x44: {  	[sflag:s0] =	ssyncadd.tile.s32 @!p0 $0x1;
	_ =	shalt  }
.Lfunc_end1:
_tile_overlayer_lowered:
.L_overlay_start_2:
0x45: {  	(tag) =	ssettag $0x2  }
0x46: {  	s0 =	rddreg [dreg:$0x0];
	s2 =	stileid.u32  }
0x47: {  	s1 =	rddreg [dreg:$0x1];
	p0 =	sne.s32 s2, $0x0  }
0x48: {  	s3 =	rddreg [dreg:$0x2];
	[bflag:$0x3] =	sbarrier.arrive $0xFFFF;
	s2 =	simm.s32 @!p0 $0x1C01  }
0x49: {  	[timem:s3], [sflag:s2] =	dma.local @!p0 [hbm:s0], s1  }
0x4a: {  	s0 =	simm.s32 @!p0 $0x1  }
0x4b: {  	_ =	swait.ge @!p0 [sflag:s0], s1  }
0x4c: {  	s1 =	ssub.s32 @!p0 $0x0, s1;
	[sflag:s0] =	ssyncset.done @!p0 $0x0  }
0x4d: {  	[sflag:s0] =	ssyncadd.s32 @!p0 s1  }
0x4e: {  	[bflag:$0x3] =	sbarrier.arrive $0xFFFF  }
0x4f: {  	_ =	shalt  }

</sc_bundles>
